<compile_context>
chip_gen: v7x
topology: tpu7x:2x2x1
jax: 0.10.2.dev20260603
libtpu: 0.0.44.dev20260713+nightly
codegen_flags: <defaults>
</compile_context>

<pallas_src>
import functools

import jax
import jax.numpy as jnp
from jax import lax
from jax.experimental import pallas as pl
from jax.experimental.pallas import tpu as pltpu
from jax.experimental.pallas import tpu_sc as plsc

_B = 16384
_E = 64


def _make_gather():
    info = plsc.get_sparse_core_info()
    nc, ns = info.num_cores, info.num_subcores
    nw = nc * ns
    bpw = _B // nw

    mesh = plsc.VectorSubcoreMesh(core_axis_name="c", subcore_axis_name="s")

    @functools.partial(
        pl.kernel,
        out_type=(
            jax.ShapeDtypeStruct((_B, _E), jnp.float32),
            jax.ShapeDtypeStruct((_B, _E), jnp.float32),
        ),
        mesh=mesh,
        scratch_types=[
            pltpu.VMEM((bpw,), jnp.int32),
            pltpu.VMEM((bpw, _E), jnp.float32),
            pltpu.SemaphoreType.DMA,
        ],
    )
    def gather(uid_hbm, sid_hbm, ut3, st3, ue_hbm, se_hbm,
               ids_v, rows_v, gsem):
        wid = lax.axis_index("s") * nc + lax.axis_index("c")
        base = wid * bpw

        def run_table(id_hbm, tab3, out_hbm):
            pltpu.sync_copy(id_hbm.at[pl.ds(base, bpw)], ids_v)

            def body(c, carry):
                vec = ids_v[pl.ds(c * 16, 16)]
                for k in range(16):
                    rid = vec[k]
                    tid = lax.shift_right_logical(rid, 3)
                    r = rid & 7
                    pltpu.async_copy(
                        tab3.at[tid, pl.ds(r, 1)],
                        rows_v.at[pl.ds(c * 16 + k, 1)], gsem)
                return carry

            lax.fori_loop(0, bpw // 16, body, 0)
            pltpu.make_async_copy(
                out_hbm.at[pl.ds(0, bpw)], rows_v, gsem).wait()
            pltpu.sync_copy(rows_v, out_hbm.at[pl.ds(base, bpw)])

        run_table(uid_hbm, ut3, ue_hbm)
        run_table(sid_hbm, st3, se_hbm)

    return gather


_gather = _make_gather()


def _mlp_body(ue_ref, se_ref, w1u_ref, w1s_ref, b1_ref, w2_ref, b2_ref,
              w3_ref, b3_ref, wo_ref, bo_ref, out_ref):
    x = jnp.dot(ue_ref[...], w1u_ref[...], preferred_element_type=jnp.float32)
    x = x + jnp.dot(se_ref[...], w1s_ref[...],
                    preferred_element_type=jnp.float32)
    h = jnp.maximum(x + b1_ref[...], 0.0)
    h = jnp.maximum(
        jnp.dot(h, w2_ref[...], preferred_element_type=jnp.float32)
        + b2_ref[...], 0.0)
    h = jnp.maximum(
        jnp.dot(h, w3_ref[...], preferred_element_type=jnp.float32)
        + b3_ref[...], 0.0)
    o = jnp.sum(h * wo_ref[...], axis=1, keepdims=True) + bo_ref[...]
    out_ref[...] = 1.0 / (1.0 + jnp.exp(-o))


def _mlp(ue, se, w1u, w1s, b1, w2t, b2, w3t, b3, wo_row, bo):
    bn = 2048
    grid = (_B // bn,)
    full = lambda shape: pl.BlockSpec(shape, lambda i: (0, 0))
    return pl.pallas_call(
        _mlp_body,
        grid=grid,
        in_specs=[
            pl.BlockSpec((bn, _E), lambda i: (i, 0)),
            pl.BlockSpec((bn, _E), lambda i: (i, 0)),
            full((_E, 128)),
            full((_E, 128)),
            full((1, 128)),
            full((128, 64)),
            full((1, 64)),
            full((64, 32)),
            full((1, 32)),
            full((1, 32)),
            full((1, 1)),
        ],
        out_specs=pl.BlockSpec((bn, 1), lambda i: (i, 0)),
        out_shape=jax.ShapeDtypeStruct((_B, 1), jnp.float32),
    )(ue, se, w1u, w1s, b1, w2t, b2, w3t, b3, wo_row, bo)


def kernel(user_ids, symbol_ids, user_table, symbol_table,
           W1, b1, W2, b2, W3, b3, Wo, bo):
    uids = user_ids.astype(jnp.int32)
    sids = symbol_ids.astype(jnp.int32)
    ut3 = user_table.reshape(-1, 8, _E)
    st3 = symbol_table.reshape(-1, 8, _E)
    ue, se = _gather(uids, sids, ut3, st3)
    w1t = W1.T
    return _mlp(ue, se, w1t[:_E], w1t[_E:], b1.reshape(1, -1),
                W2.T, b2.reshape(1, -1), W3.T, b3.reshape(1, -1),
                Wo.reshape(1, -1), bo.reshape(1, 1))

# --- scband reference (transcript-rebuilt; emitter-appended) ---
"""Pipeline reference for scband-ncfmodel-63531156243034 (READ-ONLY COPY).

The authoritative reference and input builder live on the scoring server;
editing this copy changes nothing except your own understanding.
"""

import jax, jax.numpy as jnp
import numpy as np

NUM_USERS = 1000000
NUM_SYMBOLS = 100000
EMB = 64
BATCH = 16384


def setup_inputs(seed: int = 0) -> dict:
    key = jax.random.key(seed)
    ks = jax.random.split(key, 12)
    user_ids = jax.random.randint(ks[0], (BATCH,), 0, NUM_USERS, dtype=jnp.int64) if jax.config.jax_enable_x64 else jax.random.randint(ks[0], (BATCH,), 0, NUM_USERS, dtype=jnp.int32)
    symbol_ids = jax.random.randint(ks[1], (BATCH,), 0, NUM_SYMBOLS, dtype=jnp.int32)
    user_table = jax.random.normal(ks[2], (NUM_USERS, EMB), dtype=jnp.float32) * 0.01
    symbol_table = jax.random.normal(ks[3], (NUM_SYMBOLS, EMB), dtype=jnp.float32) * 0.01
    def xavier(k, fan_out, fan_in):
        lim = float(np.sqrt(6.0 / (fan_in + fan_out)))
        return jax.random.uniform(k, (fan_out, fan_in), dtype=jnp.float32, minval=-lim, maxval=lim)
    W1 = xavier(ks[4], 128, 2 * EMB)
    b1 = jnp.zeros((128,), dtype=jnp.float32)
    W2 = xavier(ks[5], 64, 128)
    b2 = jnp.zeros((64,), dtype=jnp.float32)
    W3 = xavier(ks[6], 32, 64)
    b3 = jnp.zeros((32,), dtype=jnp.float32)
    Wo = xavier(ks[7], 1, 32)
    bo = jnp.zeros((1,), dtype=jnp.float32)
    return {"user_ids": user_ids, "symbol_ids": symbol_ids,
            "user_table": user_table, "symbol_table": symbol_table,
            "W1": W1, "b1": b1, "W2": W2, "b2": b2, "W3": W3, "b3": b3,
            "Wo": Wo, "bo": bo}


def reference(user_ids, symbol_ids, user_table, symbol_table,
              W1, b1, W2, b2, W3, b3, Wo, bo):
    # Embedding lookups (SparseCore gather)
    user_emb = jnp.take(user_table, user_ids, axis=0)
    symbol_emb = jnp.take(symbol_table, symbol_ids, axis=0)
    x = jnp.concatenate([user_emb, symbol_emb], axis=-1)
    # MLP (dropout is identity in eval mode)
    x = jax.nn.relu(x @ W1.T + b1)
    x = jax.nn.relu(x @ W2.T + b2)
    x = jax.nn.relu(x @ W3.T + b3)
    out = x @ Wo.T + bo
    return jax.nn.sigmoid(out)

if __name__ == "__main__":
    import jax
    _d = setup_inputs()
    print(jax.jit(kernel)(*tuple(_d.values())))

</pallas_src>

<mosaic_0001>
#map = affine_map<(d0, d1) -> (0)>
#map1 = affine_map<(d0, d1) -> (0, 0, 0)>
#map2 = affine_map<(d0, d1) -> (0, 0)>
module attributes {stable_mosaic.version = 14 : i64} {
  func.func @gather(%arg0: i32, %arg1: i32, %arg2: memref<16384xi32, #tpu.memory_space<hbm>>, %arg3: memref<16384xi32, #tpu.memory_space<hbm>>, %arg4: memref<125000x8x64xf32, #tpu.memory_space<hbm>>, %arg5: memref<12500x8x64xf32, #tpu.memory_space<hbm>>, %arg6: memref<16384x64xf32, #tpu.memory_space<hbm>>, %arg7: memref<16384x64xf32, #tpu.memory_space<hbm>>, %arg8: memref<512xi32, #tpu.memory_space<vmem>>, %arg9: memref<512x64xf32, #tpu.memory_space<vmem>>, %arg10: memref<!tpu.dma_semaphore, #tpu.memory_space<semaphore_mem>>) attributes {dimension_semantics = [#tpu.dimension_semantics<core_parallel>, #tpu.dimension_semantics<subcore_parallel>], iteration_bounds = array<i64: 2, 16>, scalar_prefetch = 0 : i64, scratch_operands = 3 : i64, tpu.core_type = #tpu.core_type<sc_vector_subcore>, window_params = [{transform_indices = #map}, {transform_indices = #map}, {transform_indices = #map1}, {transform_indices = #map1}, {transform_indices = #map2}, {transform_indices = #map2}]} {
    %mul3A = arith.constant 2 : i32
    %mul3A_0 = arith.muli %arg1, %mul3A : i32
    %add3A = arith.addi %mul3A_0, %arg0 : i32
    %mul3A_1 = arith.constant 512 : i32
    %mul3A_2 = arith.muli %add3A, %mul3A_1 : i32
    "tpu.region"() ({
      %run_scoped3A = tpu.sem_alloc : memref<!tpu.dma_semaphore, #tpu.memory_space<semaphore_mem>>
      %dma_start3A = tpu.memref_slice %arg2[%mul3A_2] : memref<16384xi32, #tpu.memory_space<hbm>> -> memref<512xi32, #tpu.memory_space<hbm>>
      %dma_start3A_25 = tpu.memref_slice %arg2[%mul3A_2] : memref<16384xi32, #tpu.memory_space<hbm>> -> memref<512xi32, #tpu.memory_space<hbm>>
      tpu.enqueue_dma source(%dma_start3A_25 : memref<512xi32, #tpu.memory_space<hbm>>) target(%arg8 : memref<512xi32, #tpu.memory_space<vmem>>) target_semaphore(%run_scoped3A : memref<!tpu.dma_semaphore, #tpu.memory_space<semaphore_mem>>)
      %dma_wait3A_26 = tpu.memref_slice %arg2[%mul3A_2] : memref<16384xi32, #tpu.memory_space<hbm>> -> memref<512xi32, #tpu.memory_space<hbm>>
      %dma_wait3A_27 = tpu.memref_slice %arg2[%mul3A_2] : memref<16384xi32, #tpu.memory_space<hbm>> -> memref<512xi32, #tpu.memory_space<hbm>>
      tpu.wait_dma2 semaphore(%run_scoped3A : memref<!tpu.dma_semaphore, #tpu.memory_space<semaphore_mem>>) src(%dma_wait3A_27 : memref<512xi32, #tpu.memory_space<hbm>>) dst(%arg8 : memref<512xi32, #tpu.memory_space<vmem>>)
      tpu.yield
    }) : () -> ()
    %scan3A = arith.constant 0 : i32
    %scan3A_3 = arith.constant 0 : i32
    %scan3A_4 = arith.constant 32 : i32
    %scan3A_5 = arith.addi %scan3A_3, %scan3A_4 : i32
    %scan3A_6 = arith.constant 1 : i32
    scf.for %scan3A_25 = %scan3A_3 to %scan3A_5 step %scan3A_6  : i32 {
      %mul3A_26 = arith.constant 16 : i32
      %mul3A_27 = arith.muli %scan3A_25, %mul3A_26 : i32
      %get3A = arith.index_cast %mul3A_27 : i32 to index
      %get3A_28 = tpu.vector_load %arg8[%get3A] {strides = array<i32>} : memref<512xi32, #tpu.memory_space<vmem>>, vector<16xi32>,
      %get3A_29 = vector.shape_cast %get3A_28 : vector<16xi32> to vector<16xi32>
      %slice3A = vector.extract_strided_slice %get3A_29 {offsets = [0], sizes = [1], strides = [1]} : vector<16xi32> to vector<1xi32>
      %squeeze3A = vector.extract %slice3A[0] : i32 from vector<1xi32>
      %shift_right_logical3A = arith.constant 3 : i32
      %shift_right_logical3A_30 = arith.shrui %squeeze3A, %shift_right_logical3A : i32
      %and3A = arith.constant 7 : i32
      %and3A_31 = arith.andi %squeeze3A, %and3A : i32
      %mul3A_32 = arith.constant 16 : i32
      %mul3A_33 = arith.muli %scan3A_25, %mul3A_32 : i32
      %add3A_34 = arith.constant 0 : i32
      %add3A_35 = arith.addi %mul3A_33, %add3A_34 : i32
      %dma_start3A = arith.constant 0 : i32
      %dma_start3A_36 = tpu.memref_slice %arg9[%add3A_35, %dma_start3A] : memref<512x64xf32, #tpu.memory_space<vmem>> -> memref<1x64xf32, #tpu.memory_space<vmem>>
      %dma_start3A_37 = arith.constant 0 : i32
      %dma_start3A_38 = tpu.memref_slice %arg4[%shift_right_logical3A_30, %and3A_31, %dma_start3A_37] : memref<125000x8x64xf32, #tpu.memory_space<hbm>> -> memref<1x1x64xf32, #tpu.memory_space<hbm>>
      %dma_start3A_39 = tpu.memref_squeeze %dma_start3A_38 : memref<1x1x64xf32, #tpu.memory_space<hbm>> -> memref<1x64xf32, #tpu.memory_space<hbm>>
      %dma_start3A_40 = arith.constant 0 : i32
      %dma_start3A_41 = tpu.memref_slice %arg9[%add3A_35, %dma_start3A_40] : memref<512x64xf32, #tpu.memory_space<vmem>> -> memref<1x64xf32, #tpu.memory_space<vmem>>
      %dma_start3A_42 = arith.constant 0 : i32
      %dma_start3A_43 = tpu.memref_slice %arg4[%shift_right_logical3A_30, %and3A_31, %dma_start3A_42] : memref<125000x8x64xf32, #tpu.memory_space<hbm>> -> memref<1x1x64xf32, #tpu.memory_space<hbm>>
      %dma_start3A_44 = tpu.memref_squeeze %dma_start3A_43 : memref<1x1x64xf32, #tpu.memory_space<hbm>> -> memref<1x64xf32, #tpu.memory_space<hbm>>
      tpu.enqueue_dma source(%dma_start3A_44 : memref<1x64xf32, #tpu.memory_space<hbm>>) target(%dma_start3A_41 : memref<1x64xf32, #tpu.memory_space<vmem>>) target_semaphore(%arg10 : memref<!tpu.dma_semaphore, #tpu.memory_space<semaphore_mem>>)
      %slice3A_45 = vector.extract_strided_slice %get3A_29 {offsets = [1], sizes = [1], strides = [1]} : vector<16xi32> to vector<1xi32>
      %squeeze3A_46 = vector.extract %slice3A_45[0] : i32 from vector<1xi32>
      %shift_right_logical3A_47 = arith.constant 3 : i32
      %shift_right_logical3A_48 = arith.shrui %squeeze3A_46, %shift_right_logical3A_47 : i32
      %and3A_49 = arith.constant 7 : i32
      %and3A_50 = arith.andi %squeeze3A_46, %and3A_49 : i32
      %mul3A_51 = arith.constant 16 : i32
      %mul3A_52 = arith.muli %scan3A_25, %mul3A_51 : i32
      %add3A_53 = arith.constant 1 : i32
      %add3A_54 = arith.addi %mul3A_52, %add3A_53 : i32
      %dma_start3A_55 = arith.constant 0 : i32
      %dma_start3A_56 = tpu.memref_slice %arg9[%add3A_54, %dma_start3A_55] : memref<512x64xf32, #tpu.memory_space<vmem>> -> memref<1x64xf32, #tpu.memory_space<vmem>>
      %dma_start3A_57 = arith.constant 0 : i32
      %dma_start3A_58 = tpu.memref_slice %arg4[%shift_right_logical3A_48, %and3A_50, %dma_start3A_57] : memref<125000x8x64xf32, #tpu.memory_space<hbm>> -> memref<1x1x64xf32, #tpu.memory_space<hbm>>
      %dma_start3A_59 = tpu.memref_squeeze %dma_start3A_58 : memref<1x1x64xf32, #tpu.memory_space<hbm>> -> memref<1x64xf32, #tpu.memory_space<hbm>>
      %dma_start3A_60 = arith.constant 0 : i32
      %dma_start3A_61 = tpu.memref_slice %arg9[%add3A_54, %dma_start3A_60] : memref<512x64xf32, #tpu.memory_space<vmem>> -> memref<1x64xf32, #tpu.memory_space<vmem>>
      %dma_start3A_62 = arith.constant 0 : i32
      %dma_start3A_63 = tpu.memref_slice %arg4[%shift_right_logical3A_48, %and3A_50, %dma_start3A_62] : memref<125000x8x64xf32, #tpu.memory_space<hbm>> -> memref<1x1x64xf32, #tpu.memory_space<hbm>>
      %dma_start3A_64 = tpu.memref_squeeze %dma_start3A_63 : memref<1x1x64xf32, #tpu.memory_space<hbm>> -> memref<1x64xf32, #tpu.memory_space<hbm>>
      tpu.enqueue_dma source(%dma_start3A_64 : memref<1x64xf32, #tpu.memory_space<hbm>>) target(%dma_start3A_61 : memref<1x64xf32, #tpu.memory_space<vmem>>) target_semaphore(%arg10 : memref<!tpu.dma_semaphore, #tpu.memory_space<semaphore_mem>>)
      %slice3A_65 = vector.extract_strided_slice %get3A_29 {offsets = [2], sizes = [1], strides = [1]} : vector<16xi32> to vector<1xi32>
      %squeeze3A_66 = vector.extract %slice3A_65[0] : i32 from vector<1xi32>
      %shift_right_logical3A_67 = arith.constant 3 : i32
      %shift_right_logical3A_68 = arith.shrui %squeeze3A_66, %shift_right_logical3A_67 : i32
      %and3A_69 = arith.constant 7 : i32
      %and3A_70 = arith.andi %squeeze3A_66, %and3A_69 : i32
      %mul3A_71 = arith.constant 16 : i32
      %mul3A_72 = arith.muli %scan3A_25, %mul3A_71 : i32
      %add3A_73 = arith.constant 2 : i32
      %add3A_74 = arith.addi %mul3A_72, %add3A_73 : i32
      %dma_start3A_75 = arith.constant 0 : i32
      %dma_start3A_76 = tpu.memref_slice %arg9[%add3A_74, %dma_start3A_75] : memref<512x64xf32, #tpu.memory_space<vmem>> -> memref<1x64xf32, #tpu.memory_space<vmem>>
      %dma_start3A_77 = arith.constant 0 : i32
      %dma_start3A_78 = tpu.memref_slice %arg4[%shift_right_logical3A_68, %and3A_70, %dma_start3A_77] : memref<125000x8x64xf32, #tpu.memory_space<hbm>> -> memref<1x1x64xf32, #tpu.memory_space<hbm>>
      %dma_start3A_79 = tpu.memref_squeeze %dma_start3A_78 : memref<1x1x64xf32, #tpu.memory_space<hbm>> -> memref<1x64xf32, #tpu.memory_space<hbm>>
      %dma_start3A_80 = arith.constant 0 : i32
      %dma_start3A_81 = tpu.memref_slice %arg9[%add3A_74, %dma_start3A_80] : memref<512x64xf32, #tpu.memory_space<vmem>> -> memref<1x64xf32, #tpu.memory_space<vmem>>
      %dma_start3A_82 = arith.constant 0 : i32
      %dma_start3A_83 = tpu.memref_slice %arg4[%shift_right_logical3A_68, %and3A_70, %dma_start3A_82] : memref<125000x8x64xf32, #tpu.memory_space<hbm>> -> memref<1x1x64xf32, #tpu.memory_space<hbm>>
      %dma_start3A_84 = tpu.memref_squeeze %dma_start3A_83 : memref<1x1x64xf32, #tpu.memory_space<hbm>> -> memref<1x64xf32, #tpu.memory_space<hbm>>
      tpu.enqueue_dma source(%dma_start3A_84 : memref<1x64xf32, #tpu.memory_space<hbm>>) target(%dma_start3A_81 : memref<1x64xf32, #tpu.memory_space<vmem>>) target_semaphore(%arg10 : memref<!tpu.dma_semaphore, #tpu.memory_space<semaphore_mem>>)
      %slice3A_85 = vector.extract_strided_slice %get3A_29 {offsets = [3], sizes = [1], strides = [1]} : vector<16xi32> to vector<1xi32>
      %squeeze3A_86 = vector.extract %slice3A_85[0] : i32 from vector<1xi32>
      %shift_right_logical3A_87 = arith.constant 3 : i32
      %shift_right_logical3A_88 = arith.shrui %squeeze3A_86, %shift_right_logical3A_87 : i32
      %and3A_89 = arith.constant 7 : i32
      %and3A_90 = arith.andi %squeeze3A_86, %and3A_89 : i32
      %mul3A_91 = arith.constant 16 : i32
      %mul3A_92 = arith.muli %scan3A_25, %mul3A_91 : i32
      %add3A_93 = arith.constant 3 : i32
      %add3A_94 = arith.addi %mul3A_92, %add3A_93 : i32
      %dma_start3A_95 = arith.constant 0 : i32
      %dma_start3A_96 = tpu.memref_slice %arg9[%add3A_94, %dma_start3A_95] : memref<512x64xf32, #tpu.memory_space<vmem>> -> memref<1x64xf32, #tpu.memory_space<vmem>>
      %dma_start3A_97 = arith.constant 0 : i32
      %dma_start3A_98 = tpu.memref_slice %arg4[%shift_right_logical3A_88, %and3A_90, %dma_start3A_97] : memref<125000x8x64xf32, #tpu.memory_space<hbm>> -> memref<1x1x64xf32, #tpu.memory_space<hbm>>
      %dma_start3A_99 = tpu.memref_squeeze %dma_start3A_98 : memref<1x1x64xf32, #tpu.memory_space<hbm>> -> memref<1x64xf32, #tpu.memory_space<hbm>>
      %dma_start3A_100 = arith.constant 0 : i32
      %dma_start3A_101 = tpu.memref_slice %arg9[%add3A_94, %dma_start3A_100] : memref<512x64xf32, #tpu.memory_space<vmem>> -> memref<1x64xf32, #tpu.memory_space<vmem>>
      %dma_start3A_102 = arith.constant 0 : i32
      %dma_start3A_103 = tpu.memref_slice %arg4[%shift_right_logical3A_88, %and3A_90, %dma_start3A_102] : memref<125000x8x64xf32, #tpu.memory_space<hbm>> -> memref<1x1x64xf32, #tpu.memory_space<hbm>>
      %dma_start3A_104 = tpu.memref_squeeze %dma_start3A_103 : memref<1x1x64xf32, #tpu.memory_space<hbm>> -> memref<1x64xf32, #tpu.memory_space<hbm>>
      tpu.enqueue_dma source(%dma_start3A_104 : memref<1x64xf32, #tpu.memory_space<hbm>>) target(%dma_start3A_101 : memref<1x64xf32, #tpu.memory_space<vmem>>) target_semaphore(%arg10 : memref<!tpu.dma_semaphore, #tpu.memory_space<semaphore_mem>>)
      %slice3A_105 = vector.extract_strided_slice %get3A_29 {offsets = [4], sizes = [1], strides = [1]} : vector<16xi32> to vector<1xi32>
      %squeeze3A_106 = vector.extract %slice3A_105[0] : i32 from vector<1xi32>
      %shift_right_logical3A_107 = arith.constant 3 : i32
      %shift_right_logical3A_108 = arith.shrui %squeeze3A_106, %shift_right_logical3A_107 : i32
      %and3A_109 = arith.constant 7 : i32
      %and3A_110 = arith.andi %squeeze3A_106, %and3A_109 : i32
      %mul3A_111 = arith.constant 16 : i32
      %mul3A_112 = arith.muli %scan3A_25, %mul3A_111 : i32
      %add3A_113 = arith.constant 4 : i32
      %add3A_114 = arith.addi %mul3A_112, %add3A_113 : i32
      %dma_start3A_115 = arith.constant 0 : i32
      %dma_start3A_116 = tpu.memref_slice %arg9[%add3A_114, %dma_start3A_115] : memref<512x64xf32, #tpu.memory_space<vmem>> -> memref<1x64xf32, #tpu.memory_space<vmem>>
      %dma_start3A_117 = arith.constant 0 : i32
      %dma_start3A_118 = tpu.memref_slice %arg4[%shift_right_logical3A_108, %and3A_110, %dma_start3A_117] : memref<125000x8x64xf32, #tpu.memory_space<hbm>> -> memref<1x1x64xf32, #tpu.memory_space<hbm>>
      %dma_start3A_119 = tpu.memref_squeeze %dma_start3A_118 : memref<1x1x64xf32, #tpu.memory_space<hbm>> -> memref<1x64xf32, #tpu.memory_space<hbm>>
      %dma_start3A_120 = arith.constant 0 : i32
      %dma_start3A_121 = tpu.memref_slice %arg9[%add3A_114, %dma_start3A_120] : memref<512x64xf32, #tpu.memory_space<vmem>> -> memref<1x64xf32, #tpu.memory_space<vmem>>
      %dma_start3A_122 = arith.constant 0 : i32
      %dma_start3A_123 = tpu.memref_slice %arg4[%shift_right_logical3A_108, %and3A_110, %dma_start3A_122] : memref<125000x8x64xf32, #tpu.memory_space<hbm>> -> memref<1x1x64xf32, #tpu.memory_space<hbm>>
      %dma_start3A_124 = tpu.memref_squeeze %dma_start3A_123 : memref<1x1x64xf32, #tpu.memory_space<hbm>> -> memref<1x64xf32, #tpu.memory_space<hbm>>
      tpu.enqueue_dma source(%dma_start3A_124 : memref<1x64xf32, #tpu.memory_space<hbm>>) target(%dma_start3A_121 : memref<1x64xf32, #tpu.memory_space<vmem>>) target_semaphore(%arg10 : memref<!tpu.dma_semaphore, #tpu.memory_space<semaphore_mem>>)
      %slice3A_125 = vector.extract_strided_slice %get3A_29 {offsets = [5], sizes = [1], strides = [1]} : vector<16xi32> to vector<1xi32>
      %squeeze3A_126 = vector.extract %slice3A_125[0] : i32 from vector<1xi32>
      %shift_right_logical3A_127 = arith.constant 3 : i32
      %shift_right_logical3A_128 = arith.shrui %squeeze3A_126, %shift_right_logical3A_127 : i32
      %and3A_129 = arith.constant 7 : i32
      %and3A_130 = arith.andi %squeeze3A_126, %and3A_129 : i32
      %mul3A_131 = arith.constant 16 : i32
      %mul3A_132 = arith.muli %scan3A_25, %mul3A_131 : i32
      %add3A_133 = arith.constant 5 : i32
      %add3A_134 = arith.addi %mul3A_132, %add3A_133 : i32
      %dma_start3A_135 = arith.constant 0 : i32
      %dma_start3A_136 = tpu.memref_slice %arg9[%add3A_134, %dma_start3A_135] : memref<512x64xf32, #tpu.memory_space<vmem>> -> memref<1x64xf32, #tpu.memory_space<vmem>>
      %dma_start3A_137 = arith.constant 0 : i32
      %dma_start3A_138 = tpu.memref_slice %arg4[%shift_right_logical3A_128, %and3A_130, %dma_start3A_137] : memref<125000x8x64xf32, #tpu.memory_space<hbm>> -> memref<1x1x64xf32, #tpu.memory_space<hbm>>
      %dma_start3A_139 = tpu.memref_squeeze %dma_start3A_138 : memref<1x1x64xf32, #tpu.memory_space<hbm>> -> memref<1x64xf32, #tpu.memory_space<hbm>>
      %dma_start3A_140 = arith.constant 0 : i32
      %dma_start3A_141 = tpu.memref_slice %arg9[%add3A_134, %dma_start3A_140] : memref<512x64xf32, #tpu.memory_space<vmem>> -> memref<1x64xf32, #tpu.memory_space<vmem>>
      %dma_start3A_142 = arith.constant 0 : i32
      %dma_start3A_143 = tpu.memref_slice %arg4[%shift_right_logical3A_128, %and3A_130, %dma_start3A_142] : memref<125000x8x64xf32, #tpu.memory_space<hbm>> -> memref<1x1x64xf32, #tpu.memory_space<hbm>>
      %dma_start3A_144 = tpu.memref_squeeze %dma_start3A_143 : memref<1x1x64xf32, #tpu.memory_space<hbm>> -> memref<1x64xf32, #tpu.memory_space<hbm>>
      tpu.enqueue_dma source(%dma_start3A_144 : memref<1x64xf32, #tpu.memory_space<hbm>>) target(%dma_start3A_141 : memref<1x64xf32, #tpu.memory_space<vmem>>) target_semaphore(%arg10 : memref<!tpu.dma_semaphore, #tpu.memory_space<semaphore_mem>>)
      %slice3A_145 = vector.extract_strided_slice %get3A_29 {offsets = [6], sizes = [1], strides = [1]} : vector<16xi32> to vector<1xi32>
      %squeeze3A_146 = vector.extract %slice3A_145[0] : i32 from vector<1xi32>
      %shift_right_logical3A_147 = arith.constant 3 : i32
      %shift_right_logical3A_148 = arith.shrui %squeeze3A_146, %shift_right_logical3A_147 : i32
      %and3A_149 = arith.constant 7 : i32
      %and3A_150 = arith.andi %squeeze3A_146, %and3A_149 : i32
      %mul3A_151 = arith.constant 16 : i32
      %mul3A_152 = arith.muli %scan3A_25, %mul3A_151 : i32
      %add3A_153 = arith.constant 6 : i32
      %add3A_154 = arith.addi %mul3A_152, %add3A_153 : i32
      %dma_start3A_155 = arith.constant 0 : i32
      %dma_start3A_156 = tpu.memref_slice %arg9[%add3A_154, %dma_start3A_155] : memref<512x64xf32, #tpu.memory_space<vmem>> -> memref<1x64xf32, #tpu.memory_space<vmem>>
      %dma_start3A_157 = arith.constant 0 : i32
      %dma_start3A_158 = tpu.memref_slice %arg4[%shift_right_logical3A_148, %and3A_150, %dma_start3A_157] : memref<125000x8x64xf32, #tpu.memory_space<hbm>> -> memref<1x1x64xf32, #tpu.memory_space<hbm>>
      %dma_start3A_159 = tpu.memref_squeeze %dma_start3A_158 : memref<1x1x64xf32, #tpu.memory_space<hbm>> -> memref<1x64xf32, #tpu.memory_space<hbm>>
      %dma_start3A_160 = arith.constant 0 : i32
      %dma_start3A_161 = tpu.memref_slice %arg9[%add3A_154, %dma_start3A_160] : memref<512x64xf32, #tpu.memory_space<vmem>> -> memref<1x64xf32, #tpu.memory_space<vmem>>
      %dma_start3A_162 = arith.constant 0 : i32
      %dma_start3A_163 = tpu.memref_slice %arg4[%shift_right_logical3A_148, %and3A_150, %dma_start3A_162] : memref<125000x8x64xf32, #tpu.memory_space<hbm>> -> memref<1x1x64xf32, #tpu.memory_space<hbm>>
      %dma_start3A_164 = tpu.memref_squeeze %dma_start3A_163 : memref<1x1x64xf32, #tpu.memory_space<hbm>> -> memref<1x64xf32, #tpu.memory_space<hbm>>
      tpu.enqueue_dma source(%dma_start3A_164 : memref<1x64xf32, #tpu.memory_space<hbm>>) target(%dma_start3A_161 : memref<1x64xf32, #tpu.memory_space<vmem>>) target_semaphore(%arg10 : memref<!tpu.dma_semaphore, #tpu.memory_space<semaphore_mem>>)
      %slice3A_165 = vector.extract_strided_slice %get3A_29 {offsets = [7], sizes = [1], strides = [1]} : vector<16xi32> to vector<1xi32>
      %squeeze3A_166 = vector.extract %slice3A_165[0] : i32 from vector<1xi32>
      %shift_right_logical3A_167 = arith.constant 3 : i32
      %shift_right_logical3A_168 = arith.shrui %squeeze3A_166, %shift_right_logical3A_167 : i32
      %and3A_169 = arith.constant 7 : i32
      %and3A_170 = arith.andi %squeeze3A_166, %and3A_169 : i32
      %mul3A_171 = arith.constant 16 : i32
      %mul3A_172 = arith.muli %scan3A_25, %mul3A_171 : i32
      %add3A_173 = arith.constant 7 : i32
      %add3A_174 = arith.addi %mul3A_172, %add3A_173 : i32
      %dma_start3A_175 = arith.constant 0 : i32
      %dma_start3A_176 = tpu.memref_slice %arg9[%add3A_174, %dma_start3A_175] : memref<512x64xf32, #tpu.memory_space<vmem>> -> memref<1x64xf32, #tpu.memory_space<vmem>>
      %dma_start3A_177 = arith.constant 0 : i32
      %dma_start3A_178 = tpu.memref_slice %arg4[%shift_right_logical3A_168, %and3A_170, %dma_start3A_177] : memref<125000x8x64xf32, #tpu.memory_space<hbm>> -> memref<1x1x64xf32, #tpu.memory_space<hbm>>
      %dma_start3A_179 = tpu.memref_squeeze %dma_start3A_178 : memref<1x1x64xf32, #tpu.memory_space<hbm>> -> memref<1x64xf32, #tpu.memory_space<hbm>>
      %dma_start3A_180 = arith.constant 0 : i32
      %dma_start3A_181 = tpu.memref_slice %arg9[%add3A_174, %dma_start3A_180] : memref<512x64xf32, #tpu.memory_space<vmem>> -> memref<1x64xf32, #tpu.memory_space<vmem>>
      %dma_start3A_182 = arith.constant 0 : i32
      %dma_start3A_183 = tpu.memref_slice %arg4[%shift_right_logical3A_168, %and3A_170, %dma_start3A_182] : memref<125000x8x64xf32, #tpu.memory_space<hbm>> -> memref<1x1x64xf32, #tpu.memory_space<hbm>>
      %dma_start3A_184 = tpu.memref_squeeze %dma_start3A_183 : memref<1x1x64xf32, #tpu.memory_space<hbm>> -> memref<1x64xf32, #tpu.memory_space<hbm>>
      tpu.enqueue_dma source(%dma_start3A_184 : memref<1x64xf32, #tpu.memory_space<hbm>>) target(%dma_start3A_181 : memref<1x64xf32, #tpu.memory_space<vmem>>) target_semaphore(%arg10 : memref<!tpu.dma_semaphore, #tpu.memory_space<semaphore_mem>>)
      %slice3A_185 = vector.extract_strided_slice %get3A_29 {offsets = [8], sizes = [1], strides = [1]} : vector<16xi32> to vector<1xi32>
      %squeeze3A_186 = vector.extract %slice3A_185[0] : i32 from vector<1xi32>
      %shift_right_logical3A_187 = arith.constant 3 : i32
      %shift_right_logical3A_188 = arith.shrui %squeeze3A_186, %shift_right_logical3A_187 : i32
      %and3A_189 = arith.constant 7 : i32
      %and3A_190 = arith.andi %squeeze3A_186, %and3A_189 : i32
      %mul3A_191 = arith.constant 16 : i32
      %mul3A_192 = arith.muli %scan3A_25, %mul3A_191 : i32
      %add3A_193 = arith.constant 8 : i32
      %add3A_194 = arith.addi %mul3A_192, %add3A_193 : i32
      %dma_start3A_195 = arith.constant 0 : i32
      %dma_start3A_196 = tpu.memref_slice %arg9[%add3A_194, %dma_start3A_195] : memref<512x64xf32, #tpu.memory_space<vmem>> -> memref<1x64xf32, #tpu.memory_space<vmem>>
      %dma_start3A_197 = arith.constant 0 : i32
      %dma_start3A_198 = tpu.memref_slice %arg4[%shift_right_logical3A_188, %and3A_190, %dma_start3A_197] : memref<125000x8x64xf32, #tpu.memory_space<hbm>> -> memref<1x1x64xf32, #tpu.memory_space<hbm>>
      %dma_start3A_199 = tpu.memref_squeeze %dma_start3A_198 : memref<1x1x64xf32, #tpu.memory_space<hbm>> -> memref<1x64xf32, #tpu.memory_space<hbm>>
      %dma_start3A_200 = arith.constant 0 : i32
      %dma_start3A_201 = tpu.memref_slice %arg9[%add3A_194, %dma_start3A_200] : memref<512x64xf32, #tpu.memory_space<vmem>> -> memref<1x64xf32, #tpu.memory_space<vmem>>
      %dma_start3A_202 = arith.constant 0 : i32
      %dma_start3A_203 = tpu.memref_slice %arg4[%shift_right_logical3A_188, %and3A_190, %dma_start3A_202] : memref<125000x8x64xf32, #tpu.memory_space<hbm>> -> memref<1x1x64xf32, #tpu.memory_space<hbm>>
      %dma_start3A_204 = tpu.memref_squeeze %dma_start3A_203 : memref<1x1x64xf32, #tpu.memory_space<hbm>> -> memref<1x64xf32, #tpu.memory_space<hbm>>
      tpu.enqueue_dma source(%dma_start3A_204 : memref<1x64xf32, #tpu.memory_space<hbm>>) target(%dma_start3A_201 : memref<1x64xf32, #tpu.memory_space<vmem>>) target_semaphore(%arg10 : memref<!tpu.dma_semaphore, #tpu.memory_space<semaphore_mem>>)
      %slice3A_205 = vector.extract_strided_slice %get3A_29 {offsets = [9], sizes = [1], strides = [1]} : vector<16xi32> to vector<1xi32>
      %squeeze3A_206 = vector.extract %slice3A_205[0] : i32 from vector<1xi32>
      %shift_right_logical3A_207 = arith.constant 3 : i32
      %shift_right_logical3A_208 = arith.shrui %squeeze3A_206, %shift_right_logical3A_207 : i32
      %and3A_209 = arith.constant 7 : i32
      %and3A_210 = arith.andi %squeeze3A_206, %and3A_209 : i32
      %mul3A_211 = arith.constant 16 : i32
      %mul3A_212 = arith.muli %scan3A_25, %mul3A_211 : i32
      %add3A_213 = arith.constant 9 : i32
      %add3A_214 = arith.addi %mul3A_212, %add3A_213 : i32
      %dma_start3A_215 = arith.constant 0 : i32
      %dma_start3A_216 = tpu.memref_slice %arg9[%add3A_214, %dma_start3A_215] : memref<512x64xf32, #tpu.memory_space<vmem>> -> memref<1x64xf32, #tpu.memory_space<vmem>>
      %dma_start3A_217 = arith.constant 0 : i32
      %dma_start3A_218 = tpu.memref_slice %arg4[%shift_right_logical3A_208, %and3A_210, %dma_start3A_217] : memref<125000x8x64xf32, #tpu.memory_space<hbm>> -> memref<1x1x64xf32, #tpu.memory_space<hbm>>
      %dma_start3A_219 = tpu.memref_squeeze %dma_start3A_218 : memref<1x1x64xf32, #tpu.memory_space<hbm>> -> memref<1x64xf32, #tpu.memory_space<hbm>>
      %dma_start3A_220 = arith.constant 0 : i32
      %dma_start3A_221 = tpu.memref_slice %arg9[%add3A_214, %dma_start3A_220] : memref<512x64xf32, #tpu.memory_space<vmem>> -> memref<1x64xf32, #tpu.memory_space<vmem>>
      %dma_start3A_222 = arith.constant 0 : i32
      %dma_start3A_223 = tpu.memref_slice %arg4[%shift_right_logical3A_208, %and3A_210, %dma_start3A_222] : memref<125000x8x64xf32, #tpu.memory_space<hbm>> -> memref<1x1x64xf32, #tpu.memory_space<hbm>>
      %dma_start3A_224 = tpu.memref_squeeze %dma_start3A_223 : memref<1x1x64xf32, #tpu.memory_space<hbm>> -> memref<1x64xf32, #tpu.memory_space<hbm>>
      tpu.enqueue_dma source(%dma_start3A_224 : memref<1x64xf32, #tpu.memory_space<hbm>>) target(%dma_start3A_221 : memref<1x64xf32, #tpu.memory_space<vmem>>) target_semaphore(%arg10 : memref<!tpu.dma_semaphore, #tpu.memory_space<semaphore_mem>>)
      %slice3A_225 = vector.extract_strided_slice %get3A_29 {offsets = [10], sizes = [1], strides = [1]} : vector<16xi32> to vector<1xi32>
      %squeeze3A_226 = vector.extract %slice3A_225[0] : i32 from vector<1xi32>
      %shift_right_logical3A_227 = arith.constant 3 : i32
      %shift_right_logical3A_228 = arith.shrui %squeeze3A_226, %shift_right_logical3A_227 : i32
      %and3A_229 = arith.constant 7 : i32
      %and3A_230 = arith.andi %squeeze3A_226, %and3A_229 : i32
      %mul3A_231 = arith.constant 16 : i32
      %mul3A_232 = arith.muli %scan3A_25, %mul3A_231 : i32
      %add3A_233 = arith.constant 10 : i32
      %add3A_234 = arith.addi %mul3A_232, %add3A_233 : i32
      %dma_start3A_235 = arith.constant 0 : i32
      %dma_start3A_236 = tpu.memref_slice %arg9[%add3A_234, %dma_start3A_235] : memref<512x64xf32, #tpu.memory_space<vmem>> -> memref<1x64xf32, #tpu.memory_space<vmem>>
      %dma_start3A_237 = arith.constant 0 : i32
      %dma_start3A_238 = tpu.memref_slice %arg4[%shift_right_logical3A_228, %and3A_230, %dma_start3A_237] : memref<125000x8x64xf32, #tpu.memory_space<hbm>> -> memref<1x1x64xf32, #tpu.memory_space<hbm>>
      %dma_start3A_239 = tpu.memref_squeeze %dma_start3A_238 : memref<1x1x64xf32, #tpu.memory_space<hbm>> -> memref<1x64xf32, #tpu.memory_space<hbm>>
      %dma_start3A_240 = arith.constant 0 : i32
      %dma_start3A_241 = tpu.memref_slice %arg9[%add3A_234, %dma_start3A_240] : memref<512x64xf32, #tpu.memory_space<vmem>> -> memref<1x64xf32, #tpu.memory_space<vmem>>
      %dma_start3A_242 = arith.constant 0 : i32
      %dma_start3A_243 = tpu.memref_slice %arg4[%shift_right_logical3A_228, %and3A_230, %dma_start3A_242] : memref<125000x8x64xf32, #tpu.memory_space<hbm>> -> memref<1x1x64xf32, #tpu.memory_space<hbm>>
      %dma_start3A_244 = tpu.memref_squeeze %dma_start3A_243 : memref<1x1x64xf32, #tpu.memory_space<hbm>> -> memref<1x64xf32, #tpu.memory_space<hbm>>
      tpu.enqueue_dma source(%dma_start3A_244 : memref<1x64xf32, #tpu.memory_space<hbm>>) target(%dma_start3A_241 : memref<1x64xf32, #tpu.memory_space<vmem>>) target_semaphore(%arg10 : memref<!tpu.dma_semaphore, #tpu.memory_space<semaphore_mem>>)
      %slice3A_245 = vector.extract_strided_slice %get3A_29 {offsets = [11], sizes = [1], strides = [1]} : vector<16xi32> to vector<1xi32>
      %squeeze3A_246 = vector.extract %slice3A_245[0] : i32 from vector<1xi32>
      %shift_right_logical3A_247 = arith.constant 3 : i32
      %shift_right_logical3A_248 = arith.shrui %squeeze3A_246, %shift_right_logical3A_247 : i32
      %and3A_249 = arith.constant 7 : i32
      %and3A_250 = arith.andi %squeeze3A_246, %and3A_249 : i32
      %mul3A_251 = arith.constant 16 : i32
      %mul3A_252 = arith.muli %scan3A_25, %mul3A_251 : i32
      %add3A_253 = arith.constant 11 : i32
      %add3A_254 = arith.addi %mul3A_252, %add3A_253 : i32
      %dma_start3A_255 = arith.constant 0 : i32
      %dma_start3A_256 = tpu.memref_slice %arg9[%add3A_254, %dma_start3A_255] : memref<512x64xf32, #tpu.memory_space<vmem>> -> memref<1x64xf32, #tpu.memory_space<vmem>>
      %dma_start3A_257 = arith.constant 0 : i32
      %dma_start3A_258 = tpu.memref_slice %arg4[%shift_right_logical3A_248, %and3A_250, %dma_start3A_257] : memref<125000x8x64xf32, #tpu.memory_space<hbm>> -> memref<1x1x64xf32, #tpu.memory_space<hbm>>
      %dma_start3A_259 = tpu.memref_squeeze %dma_start3A_258 : memref<1x1x64xf32, #tpu.memory_space<hbm>> -> memref<1x64xf32, #tpu.memory_space<hbm>>
      %dma_start3A_260 = arith.constant 0 : i32
      %dma_start3A_261 = tpu.memref_slice %arg9[%add3A_254, %dma_start3A_260] : memref<512x64xf32, #tpu.memory_space<vmem>> -> memref<1x64xf32, #tpu.memory_space<vmem>>
      %dma_start3A_262 = arith.constant 0 : i32
      %dma_start3A_263 = tpu.memref_slice %arg4[%shift_right_logical3A_248, %and3A_250, %dma_start3A_262] : memref<125000x8x64xf32, #tpu.memory_space<hbm>> -> memref<1x1x64xf32, #tpu.memory_space<hbm>>
      %dma_start3A_264 = tpu.memref_squeeze %dma_start3A_263 : memref<1x1x64xf32, #tpu.memory_space<hbm>> -> memref<1x64xf32, #tpu.memory_space<hbm>>
      tpu.enqueue_dma source(%dma_start3A_264 : memref<1x64xf32, #tpu.memory_space<hbm>>) target(%dma_start3A_261 : memref<1x64xf32, #tpu.memory_space<vmem>>) target_semaphore(%arg10 : memref<!tpu.dma_semaphore, #tpu.memory_space<semaphore_mem>>)
      %slice3A_265 = vector.extract_strided_slice %get3A_29 {offsets = [12], sizes = [1], strides = [1]} : vector<16xi32> to vector<1xi32>
      %squeeze3A_266 = vector.extract %slice3A_265[0] : i32 from vector<1xi32>
      %shift_right_logical3A_267 = arith.constant 3 : i32
      %shift_right_logical3A_268 = arith.shrui %squeeze3A_266, %shift_right_logical3A_267 : i32
      %and3A_269 = arith.constant 7 : i32
      %and3A_270 = arith.andi %squeeze3A_266, %and3A_269 : i32
      %mul3A_271 = arith.constant 16 : i32
      %mul3A_272 = arith.muli %scan3A_25, %mul3A_271 : i32
      %add3A_273 = arith.constant 12 : i32
      %add3A_274 = arith.addi %mul3A_272, %add3A_273 : i32
      %dma_start3A_275 = arith.constant 0 : i32
      %dma_start3A_276 = tpu.memref_slice %arg9[%add3A_274, %dma_start3A_275] : memref<512x64xf32, #tpu.memory_space<vmem>> -> memref<1x64xf32, #tpu.memory_space<vmem>>
      %dma_start3A_277 = arith.constant 0 : i32
      %dma_start3A_278 = tpu.memref_slice %arg4[%shift_right_logical3A_268, %and3A_270, %dma_start3A_277] : memref<125000x8x64xf32, #tpu.memory_space<hbm>> -> memref<1x1x64xf32, #tpu.memory_space<hbm>>
      %dma_start3A_279 = tpu.memref_squeeze %dma_start3A_278 : memref<1x1x64xf32, #tpu.memory_space<hbm>> -> memref<1x64xf32, #tpu.memory_space<hbm>>
      %dma_start3A_280 = arith.constant 0 : i32
      %dma_start3A_281 = tpu.memref_slice %arg9[%add3A_274, %dma_start3A_280] : memref<512x64xf32, #tpu.memory_space<vmem>> -> memref<1x64xf32, #tpu.memory_space<vmem>>
      %dma_start3A_282 = arith.constant 0 : i32
      %dma_start3A_283 = tpu.memref_slice %arg4[%shift_right_logical3A_268, %and3A_270, %dma_start3A_282] : memref<125000x8x64xf32, #tpu.memory_space<hbm>> -> memref<1x1x64xf32, #tpu.memory_space<hbm>>
      %dma_start3A_284 = tpu.memref_squeeze %dma_start3A_283 : memref<1x1x64xf32, #tpu.memory_space<hbm>> -> memref<1x64xf32, #tpu.memory_space<hbm>>
      tpu.enqueue_dma source(%dma_start3A_284 : memref<1x64xf32, #tpu.memory_space<hbm>>) target(%dma_start3A_281 : memref<1x64xf32, #tpu.memory_space<vmem>>) target_semaphore(%arg10 : memref<!tpu.dma_semaphore, #tpu.memory_space<semaphore_mem>>)
      %slice3A_285 = vector.extract_strided_slice %get3A_29 {offsets = [13], sizes = [1], strides = [1]} : vector<16xi32> to vector<1xi32>
      %squeeze3A_286 = vector.extract %slice3A_285[0] : i32 from vector<1xi32>
      %shift_right_logical3A_287 = arith.constant 3 : i32
      %shift_right_logical3A_288 = arith.shrui %squeeze3A_286, %shift_right_logical3A_287 : i32
      %and3A_289 = arith.constant 7 : i32
      %and3A_290 = arith.andi %squeeze3A_286, %and3A_289 : i32
      %mul3A_291 = arith.constant 16 : i32
      %mul3A_292 = arith.muli %scan3A_25, %mul3A_291 : i32
      %add3A_293 = arith.constant 13 : i32
      %add3A_294 = arith.addi %mul3A_292, %add3A_293 : i32
      %dma_start3A_295 = arith.constant 0 : i32
      %dma_start3A_296 = tpu.memref_slice %arg9[%add3A_294, %dma_start3A_295] : memref<512x64xf32, #tpu.memory_space<vmem>> -> memref<1x64xf32, #tpu.memory_space<vmem>>
      %dma_start3A_297 = arith.constant 0 : i32
      %dma_start3A_298 = tpu.memref_slice %arg4[%shift_right_logical3A_288, %and3A_290, %dma_start3A_297] : memref<125000x8x64xf32, #tpu.memory_space<hbm>> -> memref<1x1x64xf32, #tpu.memory_space<hbm>>
      %dma_start3A_299 = tpu.memref_squeeze %dma_start3A_298 : memref<1x1x64xf32, #tpu.memory_space<hbm>> -> memref<1x64xf32, #tpu.memory_space<hbm>>
      %dma_start3A_300 = arith.constant 0 : i32
      %dma_start3A_301 = tpu.memref_slice %arg9[%add3A_294, %dma_start3A_300] : memref<512x64xf32, #tpu.memory_space<vmem>> -> memref<1x64xf32, #tpu.memory_space<vmem>>
      %dma_start3A_302 = arith.constant 0 : i32
      %dma_start3A_303 = tpu.memref_slice %arg4[%shift_right_logical3A_288, %and3A_290, %dma_start3A_302] : memref<125000x8x64xf32, #tpu.memory_space<hbm>> -> memref<1x1x64xf32, #tpu.memory_space<hbm>>
      %dma_start3A_304 = tpu.memref_squeeze %dma_start3A_303 : memref<1x1x64xf32, #tpu.memory_space<hbm>> -> memref<1x64xf32, #tpu.memory_space<hbm>>
      tpu.enqueue_dma source(%dma_start3A_304 : memref<1x64xf32, #tpu.memory_space<hbm>>) target(%dma_start3A_301 : memref<1x64xf32, #tpu.memory_space<vmem>>) target_semaphore(%arg10 : memref<!tpu.dma_semaphore, #tpu.memory_space<semaphore_mem>>)
      %slice3A_305 = vector.extract_strided_slice %get3A_29 {offsets = [14], sizes = [1], strides = [1]} : vector<16xi32> to vector<1xi32>
      %squeeze3A_306 = vector.extract %slice3A_305[0] : i32 from vector<1xi32>
      %shift_right_logical3A_307 = arith.constant 3 : i32
      %shift_right_logical3A_308 = arith.shrui %squeeze3A_306, %shift_right_logical3A_307 : i32
      %and3A_309 = arith.constant 7 : i32
      %and3A_310 = arith.andi %squeeze3A_306, %and3A_309 : i32
      %mul3A_311 = arith.constant 16 : i32
      %mul3A_312 = arith.muli %scan3A_25, %mul3A_311 : i32
      %add3A_313 = arith.constant 14 : i32
      %add3A_314 = arith.addi %mul3A_312, %add3A_313 : i32
      %dma_start3A_315 = arith.constant 0 : i32
      %dma_start3A_316 = tpu.memref_slice %arg9[%add3A_314, %dma_start3A_315] : memref<512x64xf32, #tpu.memory_space<vmem>> -> memref<1x64xf32, #tpu.memory_space<vmem>>
      %dma_start3A_317 = arith.constant 0 : i32
      %dma_start3A_318 = tpu.memref_slice %arg4[%shift_right_logical3A_308, %and3A_310, %dma_start3A_317] : memref<125000x8x64xf32, #tpu.memory_space<hbm>> -> memref<1x1x64xf32, #tpu.memory_space<hbm>>
      %dma_start3A_319 = tpu.memref_squeeze %dma_start3A_318 : memref<1x1x64xf32, #tpu.memory_space<hbm>> -> memref<1x64xf32, #tpu.memory_space<hbm>>
      %dma_start3A_320 = arith.constant 0 : i32
      %dma_start3A_321 = tpu.memref_slice %arg9[%add3A_314, %dma_start3A_320] : memref<512x64xf32, #tpu.memory_space<vmem>> -> memref<1x64xf32, #tpu.memory_space<vmem>>
      %dma_start3A_322 = arith.constant 0 : i32
      %dma_start3A_323 = tpu.memref_slice %arg4[%shift_right_logical3A_308, %and3A_310, %dma_start3A_322] : memref<125000x8x64xf32, #tpu.memory_space<hbm>> -> memref<1x1x64xf32, #tpu.memory_space<hbm>>
      %dma_start3A_324 = tpu.memref_squeeze %dma_start3A_323 : memref<1x1x64xf32, #tpu.memory_space<hbm>> -> memref<1x64xf32, #tpu.memory_space<hbm>>
      tpu.enqueue_dma source(%dma_start3A_324 : memref<1x64xf32, #tpu.memory_space<hbm>>) target(%dma_start3A_321 : memref<1x64xf32, #tpu.memory_space<vmem>>) target_semaphore(%arg10 : memref<!tpu.dma_semaphore, #tpu.memory_space<semaphore_mem>>)
      %slice3A_325 = vector.extract_strided_slice %get3A_29 {offsets = [15], sizes = [1], strides = [1]} : vector<16xi32> to vector<1xi32>
      %squeeze3A_326 = vector.extract %slice3A_325[0] : i32 from vector<1xi32>
      %shift_right_logical3A_327 = arith.constant 3 : i32
      %shift_right_logical3A_328 = arith.shrui %squeeze3A_326, %shift_right_logical3A_327 : i32
      %and3A_329 = arith.constant 7 : i32
      %and3A_330 = arith.andi %squeeze3A_326, %and3A_329 : i32
      %mul3A_331 = arith.constant 16 : i32
      %mul3A_332 = arith.muli %scan3A_25, %mul3A_331 : i32
      %add3A_333 = arith.constant 15 : i32
      %add3A_334 = arith.addi %mul3A_332, %add3A_333 : i32
      %dma_start3A_335 = arith.constant 0 : i32
      %dma_start3A_336 = tpu.memref_slice %arg9[%add3A_334, %dma_start3A_335] : memref<512x64xf32, #tpu.memory_space<vmem>> -> memref<1x64xf32, #tpu.memory_space<vmem>>
      %dma_start3A_337 = arith.constant 0 : i32
      %dma_start3A_338 = tpu.memref_slice %arg4[%shift_right_logical3A_328, %and3A_330, %dma_start3A_337] : memref<125000x8x64xf32, #tpu.memory_space<hbm>> -> memref<1x1x64xf32, #tpu.memory_space<hbm>>
      %dma_start3A_339 = tpu.memref_squeeze %dma_start3A_338 : memref<1x1x64xf32, #tpu.memory_space<hbm>> -> memref<1x64xf32, #tpu.memory_space<hbm>>
      %dma_start3A_340 = arith.constant 0 : i32
      %dma_start3A_341 = tpu.memref_slice %arg9[%add3A_334, %dma_start3A_340] : memref<512x64xf32, #tpu.memory_space<vmem>> -> memref<1x64xf32, #tpu.memory_space<vmem>>
      %dma_start3A_342 = arith.constant 0 : i32
      %dma_start3A_343 = tpu.memref_slice %arg4[%shift_right_logical3A_328, %and3A_330, %dma_start3A_342] : memref<125000x8x64xf32, #tpu.memory_space<hbm>> -> memref<1x1x64xf32, #tpu.memory_space<hbm>>
      %dma_start3A_344 = tpu.memref_squeeze %dma_start3A_343 : memref<1x1x64xf32, #tpu.memory_space<hbm>> -> memref<1x64xf32, #tpu.memory_space<hbm>>
      tpu.enqueue_dma source(%dma_start3A_344 : memref<1x64xf32, #tpu.memory_space<hbm>>) target(%dma_start3A_341 : memref<1x64xf32, #tpu.memory_space<vmem>>) target_semaphore(%arg10 : memref<!tpu.dma_semaphore, #tpu.memory_space<semaphore_mem>>)
    }
    %scan3A_7 = arith.constant 32 : i32
    %dma_wait3A = arith.constant 0 : i32
    %dma_wait3A_8 = arith.constant 0 : i32
    %dma_wait3A_9 = tpu.memref_slice %arg6[%dma_wait3A, %dma_wait3A_8] : memref<16384x64xf32, #tpu.memory_space<hbm>> -> memref<512x64xf32, #tpu.memory_space<hbm>>
    %dma_wait3A_10 = arith.constant 0 : i32
    %dma_wait3A_11 = arith.constant 0 : i32
    %dma_wait3A_12 = tpu.memref_slice %arg6[%dma_wait3A_10, %dma_wait3A_11] : memref<16384x64xf32, #tpu.memory_space<hbm>> -> memref<512x64xf32, #tpu.memory_space<hbm>>
    tpu.wait_dma2 semaphore(%arg10 : memref<!tpu.dma_semaphore, #tpu.memory_space<semaphore_mem>>) src(%dma_wait3A_12 : memref<512x64xf32, #tpu.memory_space<hbm>>) dst(%arg9 : memref<512x64xf32, #tpu.memory_space<vmem>>)
    "tpu.region"() ({
      %run_scoped3A = tpu.sem_alloc : memref<!tpu.dma_semaphore, #tpu.memory_space<semaphore_mem>>
      %dma_start3A = arith.constant 0 : i32
      %dma_start3A_25 = tpu.memref_slice %arg6[%mul3A_2, %dma_start3A] : memref<16384x64xf32, #tpu.memory_space<hbm>> -> memref<512x64xf32, #tpu.memory_space<hbm>>
      %dma_start3A_26 = arith.constant 0 : i32
      %dma_start3A_27 = tpu.memref_slice %arg6[%mul3A_2, %dma_start3A_26] : memref<16384x64xf32, #tpu.memory_space<hbm>> -> memref<512x64xf32, #tpu.memory_space<hbm>>
      tpu.enqueue_dma source(%arg9 : memref<512x64xf32, #tpu.memory_space<vmem>>) target(%dma_start3A_27 : memref<512x64xf32, #tpu.memory_space<hbm>>) target_semaphore(%run_scoped3A : memref<!tpu.dma_semaphore, #tpu.memory_space<semaphore_mem>>)
      %dma_wait3A_28 = arith.constant 0 : i32
      %dma_wait3A_29 = tpu.memref_slice %arg6[%mul3A_2, %dma_wait3A_28] : memref<16384x64xf32, #tpu.memory_space<hbm>> -> memref<512x64xf32, #tpu.memory_space<hbm>>
      %dma_wait3A_30 = arith.constant 0 : i32
      %dma_wait3A_31 = tpu.memref_slice %arg6[%mul3A_2, %dma_wait3A_30] : memref<16384x64xf32, #tpu.memory_space<hbm>> -> memref<512x64xf32, #tpu.memory_space<hbm>>
      tpu.wait_dma2 semaphore(%run_scoped3A : memref<!tpu.dma_semaphore, #tpu.memory_space<semaphore_mem>>) src(%arg9 : memref<512x64xf32, #tpu.memory_space<vmem>>) dst(%dma_wait3A_31 : memref<512x64xf32, #tpu.memory_space<hbm>>)
      tpu.yield
    }) : () -> ()
    "tpu.region"() ({
      %run_scoped3A = tpu.sem_alloc : memref<!tpu.dma_semaphore, #tpu.memory_space<semaphore_mem>>
      %dma_start3A = tpu.memref_slice %arg3[%mul3A_2] : memref<16384xi32, #tpu.memory_space<hbm>> -> memref<512xi32, #tpu.memory_space<hbm>>
      %dma_start3A_25 = tpu.memref_slice %arg3[%mul3A_2] : memref<16384xi32, #tpu.memory_space<hbm>> -> memref<512xi32, #tpu.memory_space<hbm>>
      tpu.enqueue_dma source(%dma_start3A_25 : memref<512xi32, #tpu.memory_space<hbm>>) target(%arg8 : memref<512xi32, #tpu.memory_space<vmem>>) target_semaphore(%run_scoped3A : memref<!tpu.dma_semaphore, #tpu.memory_space<semaphore_mem>>)
      %dma_wait3A_26 = tpu.memref_slice %arg3[%mul3A_2] : memref<16384xi32, #tpu.memory_space<hbm>> -> memref<512xi32, #tpu.memory_space<hbm>>
      %dma_wait3A_27 = tpu.memref_slice %arg3[%mul3A_2] : memref<16384xi32, #tpu.memory_space<hbm>> -> memref<512xi32, #tpu.memory_space<hbm>>
      tpu.wait_dma2 semaphore(%run_scoped3A : memref<!tpu.dma_semaphore, #tpu.memory_space<semaphore_mem>>) src(%dma_wait3A_27 : memref<512xi32, #tpu.memory_space<hbm>>) dst(%arg8 : memref<512xi32, #tpu.memory_space<vmem>>)
      tpu.yield
    }) : () -> ()
    %scan3A_13 = arith.constant 0 : i32
    %scan3A_14 = arith.constant 0 : i32
    %scan3A_15 = arith.constant 32 : i32
    %scan3A_16 = arith.addi %scan3A_14, %scan3A_15 : i32
    %scan3A_17 = arith.constant 1 : i32
    scf.for %scan3A_25 = %scan3A_14 to %scan3A_16 step %scan3A_17  : i32 {
      %mul3A_26 = arith.constant 16 : i32
      %mul3A_27 = arith.muli %scan3A_25, %mul3A_26 : i32
      %get3A = arith.index_cast %mul3A_27 : i32 to index
      %get3A_28 = tpu.vector_load %arg8[%get3A] {strides = array<i32>} : memref<512xi32, #tpu.memory_space<vmem>>, vector<16xi32>,
      %get3A_29 = vector.shape_cast %get3A_28 : vector<16xi32> to vector<16xi32>
      %slice3A = vector.extract_strided_slice %get3A_29 {offsets = [0], sizes = [1], strides = [1]} : vector<16xi32> to vector<1xi32>
      %squeeze3A = vector.extract %slice3A[0] : i32 from vector<1xi32>
      %shift_right_logical3A = arith.constant 3 : i32
      %shift_right_logical3A_30 = arith.shrui %squeeze3A, %shift_right_logical3A : i32
      %and3A = arith.constant 7 : i32
      %and3A_31 = arith.andi %squeeze3A, %and3A : i32
      %mul3A_32 = arith.constant 16 : i32
      %mul3A_33 = arith.muli %scan3A_25, %mul3A_32 : i32
      %add3A_34 = arith.constant 0 : i32
      %add3A_35 = arith.addi %mul3A_33, %add3A_34 : i32
      %dma_start3A = arith.constant 0 : i32
      %dma_start3A_36 = tpu.memref_slice %arg9[%add3A_35, %dma_start3A] : memref<512x64xf32, #tpu.memory_space<vmem>> -> memref<1x64xf32, #tpu.memory_space<vmem>>
      %dma_start3A_37 = arith.constant 0 : i32
      %dma_start3A_38 = tpu.memref_slice %arg5[%shift_right_logical3A_30, %and3A_31, %dma_start3A_37] : memref<12500x8x64xf32, #tpu.memory_space<hbm>> -> memref<1x1x64xf32, #tpu.memory_space<hbm>>
      %dma_start3A_39 = tpu.memref_squeeze %dma_start3A_38 : memref<1x1x64xf32, #tpu.memory_space<hbm>> -> memref<1x64xf32, #tpu.memory_space<hbm>>
      %dma_start3A_40 = arith.constant 0 : i32
      %dma_start3A_41 = tpu.memref_slice %arg9[%add3A_35, %dma_start3A_40] : memref<512x64xf32, #tpu.memory_space<vmem>> -> memref<1x64xf32, #tpu.memory_space<vmem>>
      %dma_start3A_42 = arith.constant 0 : i32
      %dma_start3A_43 = tpu.memref_slice %arg5[%shift_right_logical3A_30, %and3A_31, %dma_start3A_42] : memref<12500x8x64xf32, #tpu.memory_space<hbm>> -> memref<1x1x64xf32, #tpu.memory_space<hbm>>
      %dma_start3A_44 = tpu.memref_squeeze %dma_start3A_43 : memref<1x1x64xf32, #tpu.memory_space<hbm>> -> memref<1x64xf32, #tpu.memory_space<hbm>>
      tpu.enqueue_dma source(%dma_start3A_44 : memref<1x64xf32, #tpu.memory_space<hbm>>) target(%dma_start3A_41 : memref<1x64xf32, #tpu.memory_space<vmem>>) target_semaphore(%arg10 : memref<!tpu.dma_semaphore, #tpu.memory_space<semaphore_mem>>)
      %slice3A_45 = vector.extract_strided_slice %get3A_29 {offsets = [1], sizes = [1], strides = [1]} : vector<16xi32> to vector<1xi32>
      %squeeze3A_46 = vector.extract %slice3A_45[0] : i32 from vector<1xi32>
      %shift_right_logical3A_47 = arith.constant 3 : i32
      %shift_right_logical3A_48 = arith.shrui %squeeze3A_46, %shift_right_logical3A_47 : i32
      %and3A_49 = arith.constant 7 : i32
      %and3A_50 = arith.andi %squeeze3A_46, %and3A_49 : i32
      %mul3A_51 = arith.constant 16 : i32
      %mul3A_52 = arith.muli %scan3A_25, %mul3A_51 : i32
      %add3A_53 = arith.constant 1 : i32
      %add3A_54 = arith.addi %mul3A_52, %add3A_53 : i32
      %dma_start3A_55 = arith.constant 0 : i32
      %dma_start3A_56 = tpu.memref_slice %arg9[%add3A_54, %dma_start3A_55] : memref<512x64xf32, #tpu.memory_space<vmem>> -> memref<1x64xf32, #tpu.memory_space<vmem>>
      %dma_start3A_57 = arith.constant 0 : i32
      %dma_start3A_58 = tpu.memref_slice %arg5[%shift_right_logical3A_48, %and3A_50, %dma_start3A_57] : memref<12500x8x64xf32, #tpu.memory_space<hbm>> -> memref<1x1x64xf32, #tpu.memory_space<hbm>>
      %dma_start3A_59 = tpu.memref_squeeze %dma_start3A_58 : memref<1x1x64xf32, #tpu.memory_space<hbm>> -> memref<1x64xf32, #tpu.memory_space<hbm>>
      %dma_start3A_60 = arith.constant 0 : i32
      %dma_start3A_61 = tpu.memref_slice %arg9[%add3A_54, %dma_start3A_60] : memref<512x64xf32, #tpu.memory_space<vmem>> -> memref<1x64xf32, #tpu.memory_space<vmem>>
      %dma_start3A_62 = arith.constant 0 : i32
      %dma_start3A_63 = tpu.memref_slice %arg5[%shift_right_logical3A_48, %and3A_50, %dma_start3A_62] : memref<12500x8x64xf32, #tpu.memory_space<hbm>> -> memref<1x1x64xf32, #tpu.memory_space<hbm>>
      %dma_start3A_64 = tpu.memref_squeeze %dma_start3A_63 : memref<1x1x64xf32, #tpu.memory_space<hbm>> -> memref<1x64xf32, #tpu.memory_space<hbm>>
      tpu.enqueue_dma source(%dma_start3A_64 : memref<1x64xf32, #tpu.memory_space<hbm>>) target(%dma_start3A_61 : memref<1x64xf32, #tpu.memory_space<vmem>>) target_semaphore(%arg10 : memref<!tpu.dma_semaphore, #tpu.memory_space<semaphore_mem>>)
      %slice3A_65 = vector.extract_strided_slice %get3A_29 {offsets = [2], sizes = [1], strides = [1]} : vector<16xi32> to vector<1xi32>
      %squeeze3A_66 = vector.extract %slice3A_65[0] : i32 from vector<1xi32>
      %shift_right_logical3A_67 = arith.constant 3 : i32
      %shift_right_logical3A_68 = arith.shrui %squeeze3A_66, %shift_right_logical3A_67 : i32
      %and3A_69 = arith.constant 7 : i32
      %and3A_70 = arith.andi %squeeze3A_66, %and3A_69 : i32
      %mul3A_71 = arith.constant 16 : i32
      %mul3A_72 = arith.muli %scan3A_25, %mul3A_71 : i32
      %add3A_73 = arith.constant 2 : i32
      %add3A_74 = arith.addi %mul3A_72, %add3A_73 : i32
      %dma_start3A_75 = arith.constant 0 : i32
      %dma_start3A_76 = tpu.memref_slice %arg9[%add3A_74, %dma_start3A_75] : memref<512x64xf32, #tpu.memory_space<vmem>> -> memref<1x64xf32, #tpu.memory_space<vmem>>
      %dma_start3A_77 = arith.constant 0 : i32
      %dma_start3A_78 = tpu.memref_slice %arg5[%shift_right_logical3A_68, %and3A_70, %dma_start3A_77] : memref<12500x8x64xf32, #tpu.memory_space<hbm>> -> memref<1x1x64xf32, #tpu.memory_space<hbm>>
      %dma_start3A_79 = tpu.memref_squeeze %dma_start3A_78 : memref<1x1x64xf32, #tpu.memory_space<hbm>> -> memref<1x64xf32, #tpu.memory_space<hbm>>
      %dma_start3A_80 = arith.constant 0 : i32
      %dma_start3A_81 = tpu.memref_slice %arg9[%add3A_74, %dma_start3A_80] : memref<512x64xf32, #tpu.memory_space<vmem>> -> memref<1x64xf32, #tpu.memory_space<vmem>>
      %dma_start3A_82 = arith.constant 0 : i32
      %dma_start3A_83 = tpu.memref_slice %arg5[%shift_right_logical3A_68, %and3A_70, %dma_start3A_82] : memref<12500x8x64xf32, #tpu.memory_space<hbm>> -> memref<1x1x64xf32, #tpu.memory_space<hbm>>
      %dma_start3A_84 = tpu.memref_squeeze %dma_start3A_83 : memref<1x1x64xf32, #tpu.memory_space<hbm>> -> memref<1x64xf32, #tpu.memory_space<hbm>>
      tpu.enqueue_dma source(%dma_start3A_84 : memref<1x64xf32, #tpu.memory_space<hbm>>) target(%dma_start3A_81 : memref<1x64xf32, #tpu.memory_space<vmem>>) target_semaphore(%arg10 : memref<!tpu.dma_semaphore, #tpu.memory_space<semaphore_mem>>)
      %slice3A_85 = vector.extract_strided_slice %get3A_29 {offsets = [3], sizes = [1], strides = [1]} : vector<16xi32> to vector<1xi32>
      %squeeze3A_86 = vector.extract %slice3A_85[0] : i32 from vector<1xi32>
      %shift_right_logical3A_87 = arith.constant 3 : i32
      %shift_right_logical3A_88 = arith.shrui %squeeze3A_86, %shift_right_logical3A_87 : i32
      %and3A_89 = arith.constant 7 : i32
      %and3A_90 = arith.andi %squeeze3A_86, %and3A_89 : i32
      %mul3A_91 = arith.constant 16 : i32
      %mul3A_92 = arith.muli %scan3A_25, %mul3A_91 : i32
      %add3A_93 = arith.constant 3 : i32
      %add3A_94 = arith.addi %mul3A_92, %add3A_93 : i32
      %dma_start3A_95 = arith.constant 0 : i32
      %dma_start3A_96 = tpu.memref_slice %arg9[%add3A_94, %dma_start3A_95] : memref<512x64xf32, #tpu.memory_space<vmem>> -> memref<1x64xf32, #tpu.memory_space<vmem>>
      %dma_start3A_97 = arith.constant 0 : i32
      %dma_start3A_98 = tpu.memref_slice %arg5[%shift_right_logical3A_88, %and3A_90, %dma_start3A_97] : memref<12500x8x64xf32, #tpu.memory_space<hbm>> -> memref<1x1x64xf32, #tpu.memory_space<hbm>>
      %dma_start3A_99 = tpu.memref_squeeze %dma_start3A_98 : memref<1x1x64xf32, #tpu.memory_space<hbm>> -> memref<1x64xf32, #tpu.memory_space<hbm>>
      %dma_start3A_100 = arith.constant 0 : i32
      %dma_start3A_101 = tpu.memref_slice %arg9[%add3A_94, %dma_start3A_100] : memref<512x64xf32, #tpu.memory_space<vmem>> -> memref<1x64xf32, #tpu.memory_space<vmem>>
      %dma_start3A_102 = arith.constant 0 : i32
      %dma_start3A_103 = tpu.memref_slice %arg5[%shift_right_logical3A_88, %and3A_90, %dma_start3A_102] : memref<12500x8x64xf32, #tpu.memory_space<hbm>> -> memref<1x1x64xf32, #tpu.memory_space<hbm>>
      %dma_start3A_104 = tpu.memref_squeeze %dma_start3A_103 : memref<1x1x64xf32, #tpu.memory_space<hbm>> -> memref<1x64xf32, #tpu.memory_space<hbm>>
      tpu.enqueue_dma source(%dma_start3A_104 : memref<1x64xf32, #tpu.memory_space<hbm>>) target(%dma_start3A_101 : memref<1x64xf32, #tpu.memory_space<vmem>>) target_semaphore(%arg10 : memref<!tpu.dma_semaphore, #tpu.memory_space<semaphore_mem>>)
      %slice3A_105 = vector.extract_strided_slice %get3A_29 {offsets = [4], sizes = [1], strides = [1]} : vector<16xi32> to vector<1xi32>
      %squeeze3A_106 = vector.extract %slice3A_105[0] : i32 from vector<1xi32>
      %shift_right_logical3A_107 = arith.constant 3 : i32
      %shift_right_logical3A_108 = arith.shrui %squeeze3A_106, %shift_right_logical3A_107 : i32
      %and3A_109 = arith.constant 7 : i32
      %and3A_110 = arith.andi %squeeze3A_106, %and3A_109 : i32
      %mul3A_111 = arith.constant 16 : i32
      %mul3A_112 = arith.muli %scan3A_25, %mul3A_111 : i32
      %add3A_113 = arith.constant 4 : i32
      %add3A_114 = arith.addi %mul3A_112, %add3A_113 : i32
      %dma_start3A_115 = arith.constant 0 : i32
      %dma_start3A_116 = tpu.memref_slice %arg9[%add3A_114, %dma_start3A_115] : memref<512x64xf32, #tpu.memory_space<vmem>> -> memref<1x64xf32, #tpu.memory_space<vmem>>
      %dma_start3A_117 = arith.constant 0 : i32
      %dma_start3A_118 = tpu.memref_slice %arg5[%shift_right_logical3A_108, %and3A_110, %dma_start3A_117] : memref<12500x8x64xf32, #tpu.memory_space<hbm>> -> memref<1x1x64xf32, #tpu.memory_space<hbm>>
      %dma_start3A_119 = tpu.memref_squeeze %dma_start3A_118 : memref<1x1x64xf32, #tpu.memory_space<hbm>> -> memref<1x64xf32, #tpu.memory_space<hbm>>
      %dma_start3A_120 = arith.constant 0 : i32
      %dma_start3A_121 = tpu.memref_slice %arg9[%add3A_114, %dma_start3A_120] : memref<512x64xf32, #tpu.memory_space<vmem>> -> memref<1x64xf32, #tpu.memory_space<vmem>>
      %dma_start3A_122 = arith.constant 0 : i32
      %dma_start3A_123 = tpu.memref_slice %arg5[%shift_right_logical3A_108, %and3A_110, %dma_start3A_122] : memref<12500x8x64xf32, #tpu.memory_space<hbm>> -> memref<1x1x64xf32, #tpu.memory_space<hbm>>
      %dma_start3A_124 = tpu.memref_squeeze %dma_start3A_123 : memref<1x1x64xf32, #tpu.memory_space<hbm>> -> memref<1x64xf32, #tpu.memory_space<hbm>>
      tpu.enqueue_dma source(%dma_start3A_124 : memref<1x64xf32, #tpu.memory_space<hbm>>) target(%dma_start3A_121 : memref<1x64xf32, #tpu.memory_space<vmem>>) target_semaphore(%arg10 : memref<!tpu.dma_semaphore, #tpu.memory_space<semaphore_mem>>)
      %slice3A_125 = vector.extract_strided_slice %get3A_29 {offsets = [5], sizes = [1], strides = [1]} : vector<16xi32> to vector<1xi32>
      %squeeze3A_126 = vector.extract %slice3A_125[0] : i32 from vector<1xi32>
      %shift_right_logical3A_127 = arith.constant 3 : i32
      %shift_right_logical3A_128 = arith.shrui %squeeze3A_126, %shift_right_logical3A_127 : i32
      %and3A_129 = arith.constant 7 : i32
      %and3A_130 = arith.andi %squeeze3A_126, %and3A_129 : i32
      %mul3A_131 = arith.constant 16 : i32
      %mul3A_132 = arith.muli %scan3A_25, %mul3A_131 : i32
      %add3A_133 = arith.constant 5 : i32
      %add3A_134 = arith.addi %mul3A_132, %add3A_133 : i32
      %dma_start3A_135 = arith.constant 0 : i32
      %dma_start3A_136 = tpu.memref_slice %arg9[%add3A_134, %dma_start3A_135] : memref<512x64xf32, #tpu.memory_space<vmem>> -> memref<1x64xf32, #tpu.memory_space<vmem>>
      %dma_start3A_137 = arith.constant 0 : i32
      %dma_start3A_138 = tpu.memref_slice %arg5[%shift_right_logical3A_128, %and3A_130, %dma_start3A_137] : memref<12500x8x64xf32, #tpu.memory_space<hbm>> -> memref<1x1x64xf32, #tpu.memory_space<hbm>>
      %dma_start3A_139 = tpu.memref_squeeze %dma_start3A_138 : memref<1x1x64xf32, #tpu.memory_space<hbm>> -> memref<1x64xf32, #tpu.memory_space<hbm>>
      %dma_start3A_140 = arith.constant 0 : i32
      %dma_start3A_141 = tpu.memref_slice %arg9[%add3A_134, %dma_start3A_140] : memref<512x64xf32, #tpu.memory_space<vmem>> -> memref<1x64xf32, #tpu.memory_space<vmem>>
      %dma_start3A_142 = arith.constant 0 : i32
      %dma_start3A_143 = tpu.memref_slice %arg5[%shift_right_logical3A_128, %and3A_130, %dma_start3A_142] : memref<12500x8x64xf32, #tpu.memory_space<hbm>> -> memref<1x1x64xf32, #tpu.memory_space<hbm>>
      %dma_start3A_144 = tpu.memref_squeeze %dma_start3A_143 : memref<1x1x64xf32, #tpu.memory_space<hbm>> -> memref<1x64xf32, #tpu.memory_space<hbm>>
      tpu.enqueue_dma source(%dma_start3A_144 : memref<1x64xf32, #tpu.memory_space<hbm>>) target(%dma_start3A_141 : memref<1x64xf32, #tpu.memory_space<vmem>>) target_semaphore(%arg10 : memref<!tpu.dma_semaphore, #tpu.memory_space<semaphore_mem>>)
      %slice3A_145 = vector.extract_strided_slice %get3A_29 {offsets = [6], sizes = [1], strides = [1]} : vector<16xi32> to vector<1xi32>
      %squeeze3A_146 = vector.extract %slice3A_145[0] : i32 from vector<1xi32>
      %shift_right_logical3A_147 = arith.constant 3 : i32
      %shift_right_logical3A_148 = arith.shrui %squeeze3A_146, %shift_right_logical3A_147 : i32
      %and3A_149 = arith.constant 7 : i32
      %and3A_150 = arith.andi %squeeze3A_146, %and3A_149 : i32
      %mul3A_151 = arith.constant 16 : i32
      %mul3A_152 = arith.muli %scan3A_25, %mul3A_151 : i32
      %add3A_153 = arith.constant 6 : i32
      %add3A_154 = arith.addi %mul3A_152, %add3A_153 : i32
      %dma_start3A_155 = arith.constant 0 : i32
      %dma_start3A_156 = tpu.memref_slice %arg9[%add3A_154, %dma_start3A_155] : memref<512x64xf32, #tpu.memory_space<vmem>> -> memref<1x64xf32, #tpu.memory_space<vmem>>
      %dma_start3A_157 = arith.constant 0 : i32
      %dma_start3A_158 = tpu.memref_slice %arg5[%shift_right_logical3A_148, %and3A_150, %dma_start3A_157] : memref<12500x8x64xf32, #tpu.memory_space<hbm>> -> memref<1x1x64xf32, #tpu.memory_space<hbm>>
      %dma_start3A_159 = tpu.memref_squeeze %dma_start3A_158 : memref<1x1x64xf32, #tpu.memory_space<hbm>> -> memref<1x64xf32, #tpu.memory_space<hbm>>
      %dma_start3A_160 = arith.constant 0 : i32
      %dma_start3A_161 = tpu.memref_slice %arg9[%add3A_154, %dma_start3A_160] : memref<512x64xf32, #tpu.memory_space<vmem>> -> memref<1x64xf32, #tpu.memory_space<vmem>>
      %dma_start3A_162 = arith.constant 0 : i32
      %dma_start3A_163 = tpu.memref_slice %arg5[%shift_right_logical3A_148, %and3A_150, %dma_start3A_162] : memref<12500x8x64xf32, #tpu.memory_space<hbm>> -> memref<1x1x64xf32, #tpu.memory_space<hbm>>
      %dma_start3A_164 = tpu.memref_squeeze %dma_start3A_163 : memref<1x1x64xf32, #tpu.memory_space<hbm>> -> memref<1x64xf32, #tpu.memory_space<hbm>>
      tpu.enqueue_dma source(%dma_start3A_164 : memref<1x64xf32, #tpu.memory_space<hbm>>) target(%dma_start3A_161 : memref<1x64xf32, #tpu.memory_space<vmem>>) target_semaphore(%arg10 : memref<!tpu.dma_semaphore, #tpu.memory_space<semaphore_mem>>)
      %slice3A_165 = vector.extract_strided_slice %get3A_29 {offsets = [7], sizes = [1], strides = [1]} : vector<16xi32> to vector<1xi32>
      %squeeze3A_166 = vector.extract %slice3A_165[0] : i32 from vector<1xi32>
      %shift_right_logical3A_167 = arith.constant 3 : i32
      %shift_right_logical3A_168 = arith.shrui %squeeze3A_166, %shift_right_logical3A_167 : i32
      %and3A_169 = arith.constant 7 : i32
      %and3A_170 = arith.andi %squeeze3A_166, %and3A_169 : i32
      %mul3A_171 = arith.constant 16 : i32
      %mul3A_172 = arith.muli %scan3A_25, %mul3A_171 : i32
      %add3A_173 = arith.constant 7 : i32
      %add3A_174 = arith.addi %mul3A_172, %add3A_173 : i32
      %dma_start3A_175 = arith.constant 0 : i32
      %dma_start3A_176 = tpu.memref_slice %arg9[%add3A_174, %dma_start3A_175] : memref<512x64xf32, #tpu.memory_space<vmem>> -> memref<1x64xf32, #tpu.memory_space<vmem>>
      %dma_start3A_177 = arith.constant 0 : i32
      %dma_start3A_178 = tpu.memref_slice %arg5[%shift_right_logical3A_168, %and3A_170, %dma_start3A_177] : memref<12500x8x64xf32, #tpu.memory_space<hbm>> -> memref<1x1x64xf32, #tpu.memory_space<hbm>>
      %dma_start3A_179 = tpu.memref_squeeze %dma_start3A_178 : memref<1x1x64xf32, #tpu.memory_space<hbm>> -> memref<1x64xf32, #tpu.memory_space<hbm>>
      %dma_start3A_180 = arith.constant 0 : i32
      %dma_start3A_181 = tpu.memref_slice %arg9[%add3A_174, %dma_start3A_180] : memref<512x64xf32, #tpu.memory_space<vmem>> -> memref<1x64xf32, #tpu.memory_space<vmem>>
      %dma_start3A_182 = arith.constant 0 : i32
      %dma_start3A_183 = tpu.memref_slice %arg5[%shift_right_logical3A_168, %and3A_170, %dma_start3A_182] : memref<12500x8x64xf32, #tpu.memory_space<hbm>> -> memref<1x1x64xf32, #tpu.memory_space<hbm>>
      %dma_start3A_184 = tpu.memref_squeeze %dma_start3A_183 : memref<1x1x64xf32, #tpu.memory_space<hbm>> -> memref<1x64xf32, #tpu.memory_space<hbm>>
      tpu.enqueue_dma source(%dma_start3A_184 : memref<1x64xf32, #tpu.memory_space<hbm>>) target(%dma_start3A_181 : memref<1x64xf32, #tpu.memory_space<vmem>>) target_semaphore(%arg10 : memref<!tpu.dma_semaphore, #tpu.memory_space<semaphore_mem>>)
      %slice3A_185 = vector.extract_strided_slice %get3A_29 {offsets = [8], sizes = [1], strides = [1]} : vector<16xi32> to vector<1xi32>
      %squeeze3A_186 = vector.extract %slice3A_185[0] : i32 from vector<1xi32>
      %shift_right_logical3A_187 = arith.constant 3 : i32
      %shift_right_logical3A_188 = arith.shrui %squeeze3A_186, %shift_right_logical3A_187 : i32
      %and3A_189 = arith.constant 7 : i32
      %and3A_190 = arith.andi %squeeze3A_186, %and3A_189 : i32
      %mul3A_191 = arith.constant 16 : i32
      %mul3A_192 = arith.muli %scan3A_25, %mul3A_191 : i32
      %add3A_193 = arith.constant 8 : i32
      %add3A_194 = arith.addi %mul3A_192, %add3A_193 : i32
      %dma_start3A_195 = arith.constant 0 : i32
      %dma_start3A_196 = tpu.memref_slice %arg9[%add3A_194, %dma_start3A_195] : memref<512x64xf32, #tpu.memory_space<vmem>> -> memref<1x64xf32, #tpu.memory_space<vmem>>
      %dma_start3A_197 = arith.constant 0 : i32
      %dma_start3A_198 = tpu.memref_slice %arg5[%shift_right_logical3A_188, %and3A_190, %dma_start3A_197] : memref<12500x8x64xf32, #tpu.memory_space<hbm>> -> memref<1x1x64xf32, #tpu.memory_space<hbm>>
      %dma_start3A_199 = tpu.memref_squeeze %dma_start3A_198 : memref<1x1x64xf32, #tpu.memory_space<hbm>> -> memref<1x64xf32, #tpu.memory_space<hbm>>
      %dma_start3A_200 = arith.constant 0 : i32
      %dma_start3A_201 = tpu.memref_slice %arg9[%add3A_194, %dma_start3A_200] : memref<512x64xf32, #tpu.memory_space<vmem>> -> memref<1x64xf32, #tpu.memory_space<vmem>>
      %dma_start3A_202 = arith.constant 0 : i32
      %dma_start3A_203 = tpu.memref_slice %arg5[%shift_right_logical3A_188, %and3A_190, %dma_start3A_202] : memref<12500x8x64xf32, #tpu.memory_space<hbm>> -> memref<1x1x64xf32, #tpu.memory_space<hbm>>
      %dma_start3A_204 = tpu.memref_squeeze %dma_start3A_203 : memref<1x1x64xf32, #tpu.memory_space<hbm>> -> memref<1x64xf32, #tpu.memory_space<hbm>>
      tpu.enqueue_dma source(%dma_start3A_204 : memref<1x64xf32, #tpu.memory_space<hbm>>) target(%dma_start3A_201 : memref<1x64xf32, #tpu.memory_space<vmem>>) target_semaphore(%arg10 : memref<!tpu.dma_semaphore, #tpu.memory_space<semaphore_mem>>)
      %slice3A_205 = vector.extract_strided_slice %get3A_29 {offsets = [9], sizes = [1], strides = [1]} : vector<16xi32> to vector<1xi32>
      %squeeze3A_206 = vector.extract %slice3A_205[0] : i32 from vector<1xi32>
      %shift_right_logical3A_207 = arith.constant 3 : i32
      %shift_right_logical3A_208 = arith.shrui %squeeze3A_206, %shift_right_logical3A_207 : i32
      %and3A_209 = arith.constant 7 : i32
      %and3A_210 = arith.andi %squeeze3A_206, %and3A_209 : i32
      %mul3A_211 = arith.constant 16 : i32
      %mul3A_212 = arith.muli %scan3A_25, %mul3A_211 : i32
      %add3A_213 = arith.constant 9 : i32
      %add3A_214 = arith.addi %mul3A_212, %add3A_213 : i32
      %dma_start3A_215 = arith.constant 0 : i32
      %dma_start3A_216 = tpu.memref_slice %arg9[%add3A_214, %dma_start3A_215] : memref<512x64xf32, #tpu.memory_space<vmem>> -> memref<1x64xf32, #tpu.memory_space<vmem>>
      %dma_start3A_217 = arith.constant 0 : i32
      %dma_start3A_218 = tpu.memref_slice %arg5[%shift_right_logical3A_208, %and3A_210, %dma_start3A_217] : memref<12500x8x64xf32, #tpu.memory_space<hbm>> -> memref<1x1x64xf32, #tpu.memory_space<hbm>>
      %dma_start3A_219 = tpu.memref_squeeze %dma_start3A_218 : memref<1x1x64xf32, #tpu.memory_space<hbm>> -> memref<1x64xf32, #tpu.memory_space<hbm>>
      %dma_start3A_220 = arith.constant 0 : i32
      %dma_start3A_221 = tpu.memref_slice %arg9[%add3A_214, %dma_start3A_220] : memref<512x64xf32, #tpu.memory_space<vmem>> -> memref<1x64xf32, #tpu.memory_space<vmem>>
      %dma_start3A_222 = arith.constant 0 : i32
      %dma_start3A_223 = tpu.memref_slice %arg5[%shift_right_logical3A_208, %and3A_210, %dma_start3A_222] : memref<12500x8x64xf32, #tpu.memory_space<hbm>> -> memref<1x1x64xf32, #tpu.memory_space<hbm>>
      %dma_start3A_224 = tpu.memref_squeeze %dma_start3A_223 : memref<1x1x64xf32, #tpu.memory_space<hbm>> -> memref<1x64xf32, #tpu.memory_space<hbm>>
      tpu.enqueue_dma source(%dma_start3A_224 : memref<1x64xf32, #tpu.memory_space<hbm>>) target(%dma_start3A_221 : memref<1x64xf32, #tpu.memory_space<vmem>>) target_semaphore(%arg10 : memref<!tpu.dma_semaphore, #tpu.memory_space<semaphore_mem>>)
      %slice3A_225 = vector.extract_strided_slice %get3A_29 {offsets = [10], sizes = [1], strides = [1]} : vector<16xi32> to vector<1xi32>
      %squeeze3A_226 = vector.extract %slice3A_225[0] : i32 from vector<1xi32>
      %shift_right_logical3A_227 = arith.constant 3 : i32
      %shift_right_logical3A_228 = arith.shrui %squeeze3A_226, %shift_right_logical3A_227 : i32
      %and3A_229 = arith.constant 7 : i32
      %and3A_230 = arith.andi %squeeze3A_226, %and3A_229 : i32
      %mul3A_231 = arith.constant 16 : i32
      %mul3A_232 = arith.muli %scan3A_25, %mul3A_231 : i32
      %add3A_233 = arith.constant 10 : i32
      %add3A_234 = arith.addi %mul3A_232, %add3A_233 : i32
      %dma_start3A_235 = arith.constant 0 : i32
      %dma_start3A_236 = tpu.memref_slice %arg9[%add3A_234, %dma_start3A_235] : memref<512x64xf32, #tpu.memory_space<vmem>> -> memref<1x64xf32, #tpu.memory_space<vmem>>
      %dma_start3A_237 = arith.constant 0 : i32
      %dma_start3A_238 = tpu.memref_slice %arg5[%shift_right_logical3A_228, %and3A_230, %dma_start3A_237] : memref<12500x8x64xf32, #tpu.memory_space<hbm>> -> memref<1x1x64xf32, #tpu.memory_space<hbm>>
      %dma_start3A_239 = tpu.memref_squeeze %dma_start3A_238 : memref<1x1x64xf32, #tpu.memory_space<hbm>> -> memref<1x64xf32, #tpu.memory_space<hbm>>
      %dma_start3A_240 = arith.constant 0 : i32
      %dma_start3A_241 = tpu.memref_slice %arg9[%add3A_234, %dma_start3A_240] : memref<512x64xf32, #tpu.memory_space<vmem>> -> memref<1x64xf32, #tpu.memory_space<vmem>>
      %dma_start3A_242 = arith.constant 0 : i32
      %dma_start3A_243 = tpu.memref_slice %arg5[%shift_right_logical3A_228, %and3A_230, %dma_start3A_242] : memref<12500x8x64xf32, #tpu.memory_space<hbm>> -> memref<1x1x64xf32, #tpu.memory_space<hbm>>
      %dma_start3A_244 = tpu.memref_squeeze %dma_start3A_243 : memref<1x1x64xf32, #tpu.memory_space<hbm>> -> memref<1x64xf32, #tpu.memory_space<hbm>>
      tpu.enqueue_dma source(%dma_start3A_244 : memref<1x64xf32, #tpu.memory_space<hbm>>) target(%dma_start3A_241 : memref<1x64xf32, #tpu.memory_space<vmem>>) target_semaphore(%arg10 : memref<!tpu.dma_semaphore, #tpu.memory_space<semaphore_mem>>)
      %slice3A_245 = vector.extract_strided_slice %get3A_29 {offsets = [11], sizes = [1], strides = [1]} : vector<16xi32> to vector<1xi32>
      %squeeze3A_246 = vector.extract %slice3A_245[0] : i32 from vector<1xi32>
      %shift_right_logical3A_247 = arith.constant 3 : i32
      %shift_right_logical3A_248 = arith.shrui %squeeze3A_246, %shift_right_logical3A_247 : i32
      %and3A_249 = arith.constant 7 : i32
      %and3A_250 = arith.andi %squeeze3A_246, %and3A_249 : i32
      %mul3A_251 = arith.constant 16 : i32
      %mul3A_252 = arith.muli %scan3A_25, %mul3A_251 : i32
      %add3A_253 = arith.constant 11 : i32
      %add3A_254 = arith.addi %mul3A_252, %add3A_253 : i32
      %dma_start3A_255 = arith.constant 0 : i32
      %dma_start3A_256 = tpu.memref_slice %arg9[%add3A_254, %dma_start3A_255] : memref<512x64xf32, #tpu.memory_space<vmem>> -> memref<1x64xf32, #tpu.memory_space<vmem>>
      %dma_start3A_257 = arith.constant 0 : i32
      %dma_start3A_258 = tpu.memref_slice %arg5[%shift_right_logical3A_248, %and3A_250, %dma_start3A_257] : memref<12500x8x64xf32, #tpu.memory_space<hbm>> -> memref<1x1x64xf32, #tpu.memory_space<hbm>>
      %dma_start3A_259 = tpu.memref_squeeze %dma_start3A_258 : memref<1x1x64xf32, #tpu.memory_space<hbm>> -> memref<1x64xf32, #tpu.memory_space<hbm>>
      %dma_start3A_260 = arith.constant 0 : i32
      %dma_start3A_261 = tpu.memref_slice %arg9[%add3A_254, %dma_start3A_260] : memref<512x64xf32, #tpu.memory_space<vmem>> -> memref<1x64xf32, #tpu.memory_space<vmem>>
      %dma_start3A_262 = arith.constant 0 : i32
      %dma_start3A_263 = tpu.memref_slice %arg5[%shift_right_logical3A_248, %and3A_250, %dma_start3A_262] : memref<12500x8x64xf32, #tpu.memory_space<hbm>> -> memref<1x1x64xf32, #tpu.memory_space<hbm>>
      %dma_start3A_264 = tpu.memref_squeeze %dma_start3A_263 : memref<1x1x64xf32, #tpu.memory_space<hbm>> -> memref<1x64xf32, #tpu.memory_space<hbm>>
      tpu.enqueue_dma source(%dma_start3A_264 : memref<1x64xf32, #tpu.memory_space<hbm>>) target(%dma_start3A_261 : memref<1x64xf32, #tpu.memory_space<vmem>>) target_semaphore(%arg10 : memref<!tpu.dma_semaphore, #tpu.memory_space<semaphore_mem>>)
      %slice3A_265 = vector.extract_strided_slice %get3A_29 {offsets = [12], sizes = [1], strides = [1]} : vector<16xi32> to vector<1xi32>
      %squeeze3A_266 = vector.extract %slice3A_265[0] : i32 from vector<1xi32>
      %shift_right_logical3A_267 = arith.constant 3 : i32
      %shift_right_logical3A_268 = arith.shrui %squeeze3A_266, %shift_right_logical3A_267 : i32
      %and3A_269 = arith.constant 7 : i32
      %and3A_270 = arith.andi %squeeze3A_266, %and3A_269 : i32
      %mul3A_271 = arith.constant 16 : i32
      %mul3A_272 = arith.muli %scan3A_25, %mul3A_271 : i32
      %add3A_273 = arith.constant 12 : i32
      %add3A_274 = arith.addi %mul3A_272, %add3A_273 : i32
      %dma_start3A_275 = arith.constant 0 : i32
      %dma_start3A_276 = tpu.memref_slice %arg9[%add3A_274, %dma_start3A_275] : memref<512x64xf32, #tpu.memory_space<vmem>> -> memref<1x64xf32, #tpu.memory_space<vmem>>
      %dma_start3A_277 = arith.constant 0 : i32
      %dma_start3A_278 = tpu.memref_slice %arg5[%shift_right_logical3A_268, %and3A_270, %dma_start3A_277] : memref<12500x8x64xf32, #tpu.memory_space<hbm>> -> memref<1x1x64xf32, #tpu.memory_space<hbm>>
      %dma_start3A_279 = tpu.memref_squeeze %dma_start3A_278 : memref<1x1x64xf32, #tpu.memory_space<hbm>> -> memref<1x64xf32, #tpu.memory_space<hbm>>
      %dma_start3A_280 = arith.constant 0 : i32
      %dma_start3A_281 = tpu.memref_slice %arg9[%add3A_274, %dma_start3A_280] : memref<512x64xf32, #tpu.memory_space<vmem>> -> memref<1x64xf32, #tpu.memory_space<vmem>>
      %dma_start3A_282 = arith.constant 0 : i32
      %dma_start3A_283 = tpu.memref_slice %arg5[%shift_right_logical3A_268, %and3A_270, %dma_start3A_282] : memref<12500x8x64xf32, #tpu.memory_space<hbm>> -> memref<1x1x64xf32, #tpu.memory_space<hbm>>
      %dma_start3A_284 = tpu.memref_squeeze %dma_start3A_283 : memref<1x1x64xf32, #tpu.memory_space<hbm>> -> memref<1x64xf32, #tpu.memory_space<hbm>>
      tpu.enqueue_dma source(%dma_start3A_284 : memref<1x64xf32, #tpu.memory_space<hbm>>) target(%dma_start3A_281 : memref<1x64xf32, #tpu.memory_space<vmem>>) target_semaphore(%arg10 : memref<!tpu.dma_semaphore, #tpu.memory_space<semaphore_mem>>)
      %slice3A_285 = vector.extract_strided_slice %get3A_29 {offsets = [13], sizes = [1], strides = [1]} : vector<16xi32> to vector<1xi32>
      %squeeze3A_286 = vector.extract %slice3A_285[0] : i32 from vector<1xi32>
      %shift_right_logical3A_287 = arith.constant 3 : i32
      %shift_right_logical3A_288 = arith.shrui %squeeze3A_286, %shift_right_logical3A_287 : i32
      %and3A_289 = arith.constant 7 : i32
      %and3A_290 = arith.andi %squeeze3A_286, %and3A_289 : i32
      %mul3A_291 = arith.constant 16 : i32
      %mul3A_292 = arith.muli %scan3A_25, %mul3A_291 : i32
      %add3A_293 = arith.constant 13 : i32
      %add3A_294 = arith.addi %mul3A_292, %add3A_293 : i32
      %dma_start3A_295 = arith.constant 0 : i32
      %dma_start3A_296 = tpu.memref_slice %arg9[%add3A_294, %dma_start3A_295] : memref<512x64xf32, #tpu.memory_space<vmem>> -> memref<1x64xf32, #tpu.memory_space<vmem>>
      %dma_start3A_297 = arith.constant 0 : i32
      %dma_start3A_298 = tpu.memref_slice %arg5[%shift_right_logical3A_288, %and3A_290, %dma_start3A_297] : memref<12500x8x64xf32, #tpu.memory_space<hbm>> -> memref<1x1x64xf32, #tpu.memory_space<hbm>>
      %dma_start3A_299 = tpu.memref_squeeze %dma_start3A_298 : memref<1x1x64xf32, #tpu.memory_space<hbm>> -> memref<1x64xf32, #tpu.memory_space<hbm>>
      %dma_start3A_300 = arith.constant 0 : i32
      %dma_start3A_301 = tpu.memref_slice %arg9[%add3A_294, %dma_start3A_300] : memref<512x64xf32, #tpu.memory_space<vmem>> -> memref<1x64xf32, #tpu.memory_space<vmem>>
      %dma_start3A_302 = arith.constant 0 : i32
      %dma_start3A_303 = tpu.memref_slice %arg5[%shift_right_logical3A_288, %and3A_290, %dma_start3A_302] : memref<12500x8x64xf32, #tpu.memory_space<hbm>> -> memref<1x1x64xf32, #tpu.memory_space<hbm>>
      %dma_start3A_304 = tpu.memref_squeeze %dma_start3A_303 : memref<1x1x64xf32, #tpu.memory_space<hbm>> -> memref<1x64xf32, #tpu.memory_space<hbm>>
      tpu.enqueue_dma source(%dma_start3A_304 : memref<1x64xf32, #tpu.memory_space<hbm>>) target(%dma_start3A_301 : memref<1x64xf32, #tpu.memory_space<vmem>>) target_semaphore(%arg10 : memref<!tpu.dma_semaphore, #tpu.memory_space<semaphore_mem>>)
      %slice3A_305 = vector.extract_strided_slice %get3A_29 {offsets = [14], sizes = [1], strides = [1]} : vector<16xi32> to vector<1xi32>
      %squeeze3A_306 = vector.extract %slice3A_305[0] : i32 from vector<1xi32>
      %shift_right_logical3A_307 = arith.constant 3 : i32
      %shift_right_logical3A_308 = arith.shrui %squeeze3A_306, %shift_right_logical3A_307 : i32
      %and3A_309 = arith.constant 7 : i32
      %and3A_310 = arith.andi %squeeze3A_306, %and3A_309 : i32
      %mul3A_311 = arith.constant 16 : i32
      %mul3A_312 = arith.muli %scan3A_25, %mul3A_311 : i32
      %add3A_313 = arith.constant 14 : i32
      %add3A_314 = arith.addi %mul3A_312, %add3A_313 : i32
      %dma_start3A_315 = arith.constant 0 : i32
      %dma_start3A_316 = tpu.memref_slice %arg9[%add3A_314, %dma_start3A_315] : memref<512x64xf32, #tpu.memory_space<vmem>> -> memref<1x64xf32, #tpu.memory_space<vmem>>
      %dma_start3A_317 = arith.constant 0 : i32
      %dma_start3A_318 = tpu.memref_slice %arg5[%shift_right_logical3A_308, %and3A_310, %dma_start3A_317] : memref<12500x8x64xf32, #tpu.memory_space<hbm>> -> memref<1x1x64xf32, #tpu.memory_space<hbm>>
      %dma_start3A_319 = tpu.memref_squeeze %dma_start3A_318 : memref<1x1x64xf32, #tpu.memory_space<hbm>> -> memref<1x64xf32, #tpu.memory_space<hbm>>
      %dma_start3A_320 = arith.constant 0 : i32
      %dma_start3A_321 = tpu.memref_slice %arg9[%add3A_314, %dma_start3A_320] : memref<512x64xf32, #tpu.memory_space<vmem>> -> memref<1x64xf32, #tpu.memory_space<vmem>>
      %dma_start3A_322 = arith.constant 0 : i32
      %dma_start3A_323 = tpu.memref_slice %arg5[%shift_right_logical3A_308, %and3A_310, %dma_start3A_322] : memref<12500x8x64xf32, #tpu.memory_space<hbm>> -> memref<1x1x64xf32, #tpu.memory_space<hbm>>
      %dma_start3A_324 = tpu.memref_squeeze %dma_start3A_323 : memref<1x1x64xf32, #tpu.memory_space<hbm>> -> memref<1x64xf32, #tpu.memory_space<hbm>>
      tpu.enqueue_dma source(%dma_start3A_324 : memref<1x64xf32, #tpu.memory_space<hbm>>) target(%dma_start3A_321 : memref<1x64xf32, #tpu.memory_space<vmem>>) target_semaphore(%arg10 : memref<!tpu.dma_semaphore, #tpu.memory_space<semaphore_mem>>)
      %slice3A_325 = vector.extract_strided_slice %get3A_29 {offsets = [15], sizes = [1], strides = [1]} : vector<16xi32> to vector<1xi32>
      %squeeze3A_326 = vector.extract %slice3A_325[0] : i32 from vector<1xi32>
      %shift_right_logical3A_327 = arith.constant 3 : i32
      %shift_right_logical3A_328 = arith.shrui %squeeze3A_326, %shift_right_logical3A_327 : i32
      %and3A_329 = arith.constant 7 : i32
      %and3A_330 = arith.andi %squeeze3A_326, %and3A_329 : i32
      %mul3A_331 = arith.constant 16 : i32
      %mul3A_332 = arith.muli %scan3A_25, %mul3A_331 : i32
      %add3A_333 = arith.constant 15 : i32
      %add3A_334 = arith.addi %mul3A_332, %add3A_333 : i32
      %dma_start3A_335 = arith.constant 0 : i32
      %dma_start3A_336 = tpu.memref_slice %arg9[%add3A_334, %dma_start3A_335] : memref<512x64xf32, #tpu.memory_space<vmem>> -> memref<1x64xf32, #tpu.memory_space<vmem>>
      %dma_start3A_337 = arith.constant 0 : i32
      %dma_start3A_338 = tpu.memref_slice %arg5[%shift_right_logical3A_328, %and3A_330, %dma_start3A_337] : memref<12500x8x64xf32, #tpu.memory_space<hbm>> -> memref<1x1x64xf32, #tpu.memory_space<hbm>>
      %dma_start3A_339 = tpu.memref_squeeze %dma_start3A_338 : memref<1x1x64xf32, #tpu.memory_space<hbm>> -> memref<1x64xf32, #tpu.memory_space<hbm>>
      %dma_start3A_340 = arith.constant 0 : i32
      %dma_start3A_341 = tpu.memref_slice %arg9[%add3A_334, %dma_start3A_340] : memref<512x64xf32, #tpu.memory_space<vmem>> -> memref<1x64xf32, #tpu.memory_space<vmem>>
      %dma_start3A_342 = arith.constant 0 : i32
      %dma_start3A_343 = tpu.memref_slice %arg5[%shift_right_logical3A_328, %and3A_330, %dma_start3A_342] : memref<12500x8x64xf32, #tpu.memory_space<hbm>> -> memref<1x1x64xf32, #tpu.memory_space<hbm>>
      %dma_start3A_344 = tpu.memref_squeeze %dma_start3A_343 : memref<1x1x64xf32, #tpu.memory_space<hbm>> -> memref<1x64xf32, #tpu.memory_space<hbm>>
      tpu.enqueue_dma source(%dma_start3A_344 : memref<1x64xf32, #tpu.memory_space<hbm>>) target(%dma_start3A_341 : memref<1x64xf32, #tpu.memory_space<vmem>>) target_semaphore(%arg10 : memref<!tpu.dma_semaphore, #tpu.memory_space<semaphore_mem>>)
    }
    %scan3A_18 = arith.constant 32 : i32
    %dma_wait3A_19 = arith.constant 0 : i32
    %dma_wait3A_20 = arith.constant 0 : i32
    %dma_wait3A_21 = tpu.memref_slice %arg7[%dma_wait3A_19, %dma_wait3A_20] : memref<16384x64xf32, #tpu.memory_space<hbm>> -> memref<512x64xf32, #tpu.memory_space<hbm>>
    %dma_wait3A_22 = arith.constant 0 : i32
    %dma_wait3A_23 = arith.constant 0 : i32
    %dma_wait3A_24 = tpu.memref_slice %arg7[%dma_wait3A_22, %dma_wait3A_23] : memref<16384x64xf32, #tpu.memory_space<hbm>> -> memref<512x64xf32, #tpu.memory_space<hbm>>
    tpu.wait_dma2 semaphore(%arg10 : memref<!tpu.dma_semaphore, #tpu.memory_space<semaphore_mem>>) src(%dma_wait3A_24 : memref<512x64xf32, #tpu.memory_space<hbm>>) dst(%arg9 : memref<512x64xf32, #tpu.memory_space<vmem>>)
    "tpu.region"() ({
      %run_scoped3A = tpu.sem_alloc : memref<!tpu.dma_semaphore, #tpu.memory_space<semaphore_mem>>
      %dma_start3A = arith.constant 0 : i32
      %dma_start3A_25 = tpu.memref_slice %arg7[%mul3A_2, %dma_start3A] : memref<16384x64xf32, #tpu.memory_space<hbm>> -> memref<512x64xf32, #tpu.memory_space<hbm>>
      %dma_start3A_26 = arith.constant 0 : i32
      %dma_start3A_27 = tpu.memref_slice %arg7[%mul3A_2, %dma_start3A_26] : memref<16384x64xf32, #tpu.memory_space<hbm>> -> memref<512x64xf32, #tpu.memory_space<hbm>>
      tpu.enqueue_dma source(%arg9 : memref<512x64xf32, #tpu.memory_space<vmem>>) target(%dma_start3A_27 : memref<512x64xf32, #tpu.memory_space<hbm>>) target_semaphore(%run_scoped3A : memref<!tpu.dma_semaphore, #tpu.memory_space<semaphore_mem>>)
      %dma_wait3A_28 = arith.constant 0 : i32
      %dma_wait3A_29 = tpu.memref_slice %arg7[%mul3A_2, %dma_wait3A_28] : memref<16384x64xf32, #tpu.memory_space<hbm>> -> memref<512x64xf32, #tpu.memory_space<hbm>>
      %dma_wait3A_30 = arith.constant 0 : i32
      %dma_wait3A_31 = tpu.memref_slice %arg7[%mul3A_2, %dma_wait3A_30] : memref<16384x64xf32, #tpu.memory_space<hbm>> -> memref<512x64xf32, #tpu.memory_space<hbm>>
      tpu.wait_dma2 semaphore(%run_scoped3A : memref<!tpu.dma_semaphore, #tpu.memory_space<semaphore_mem>>) src(%arg9 : memref<512x64xf32, #tpu.memory_space<vmem>>) dst(%dma_wait3A_31 : memref<512x64xf32, #tpu.memory_space<hbm>>)
      tpu.yield
    }) : () -> ()
    return
  }
}

module attributes {stable_mosaic.version = 14 : i64} {
  func.func @_mlp_body(%arg0: i32, %arg1: memref<2048x64xf32, #tpu.memory_space<vmem>>, %arg2: memref<2048x64xf32, #tpu.memory_space<vmem>>, %arg3: memref<64x128xf32, #tpu.memory_space<vmem>>, %arg4: memref<64x128xf32, #tpu.memory_space<vmem>>, %arg5: memref<1x128xf32, #tpu.memory_space<vmem>>, %arg6: memref<128x64xf32, #tpu.memory_space<vmem>>, %arg7: memref<1x64xf32, #tpu.memory_space<vmem>>, %arg8: memref<64x32xf32, #tpu.memory_space<vmem>>, %arg9: memref<1x32xf32, #tpu.memory_space<vmem>>, %arg10: memref<1x32xf32, #tpu.memory_space<vmem>>, %arg11: memref<1x1xf32, #tpu.memory_space<vmem>>, %arg12: memref<2048x1xf32, #tpu.memory_space<vmem>>) attributes {dimension_semantics = [#tpu.dimension_semantics<arbitrary>], iteration_bounds = array<i64: 8>, scalar_prefetch = 0 : i64, scratch_operands = 0 : i64, tpu.core_type = #tpu.core_type<tc>, window_params = [{transform_indices = @transform_0, window_bounds = array<i64: 2048, 64>}, {transform_indices = @transform_1, window_bounds = array<i64: 2048, 64>}, {pipeline_mode = #tpu.pipeline_mode<synchronous>, transform_indices = @transform_2, window_bounds = array<i64: 64, 128>}, {pipeline_mode = #tpu.pipeline_mode<synchronous>, transform_indices = @transform_3, window_bounds = array<i64: 64, 128>}, {pipeline_mode = #tpu.pipeline_mode<synchronous>, transform_indices = @transform_4, window_bounds = array<i64: 1, 128>}, {pipeline_mode = #tpu.pipeline_mode<synchronous>, transform_indices = @transform_5, window_bounds = array<i64: 128, 64>}, {pipeline_mode = #tpu.pipeline_mode<synchronous>, transform_indices = @transform_6, window_bounds = array<i64: 1, 64>}, {pipeline_mode = #tpu.pipeline_mode<synchronous>, transform_indices = @transform_7, window_bounds = array<i64: 64, 32>}, {pipeline_mode = #tpu.pipeline_mode<synchronous>, transform_indices = @transform_8, window_bounds = array<i64: 1, 32>}, {pipeline_mode = #tpu.pipeline_mode<synchronous>, transform_indices = @transform_9, window_bounds = array<i64: 1, 32>}, {pipeline_mode = #tpu.pipeline_mode<synchronous>, transform_indices = @transform_10, window_bounds = array<i64: 1, 1>}, {transform_indices = @transform_11, window_bounds = array<i64: 2048, 1>}]} {
    %get3A = arith.constant 0 : index
    %get3A_0 = arith.constant 0 : index
    %get3A_1 = vector.load %arg1[%get3A, %get3A_0] : memref<2048x64xf32, #tpu.memory_space<vmem>>, vector<2048x64xf32>
    %get3A_2 = arith.constant 0 : index
    %get3A_3 = arith.constant 0 : index
    %get3A_4 = vector.load %arg3[%get3A_2, %get3A_3] : memref<64x128xf32, #tpu.memory_space<vmem>>, vector<64x128xf32>
    %dot_general3A = arith.constant dense<0.000000e+00> : vector<2048x128xf32>
    %dot_general3A_5 = tpu.matmul %get3A_1, %get3A_4, %dot_general3A {dimension_numbers = #tpu.dot_dimension_numbers<[1], [0], [0], [1], [0, 0, 1, 1], [], []>, transpose_lhs_hint = false} : vector<2048x64xf32>, vector<64x128xf32>, vector<2048x128xf32> -> vector<2048x128xf32>
    %get3A_6 = arith.constant 0 : index
    %get3A_7 = arith.constant 0 : index
    %get3A_8 = vector.load %arg2[%get3A_6, %get3A_7] : memref<2048x64xf32, #tpu.memory_space<vmem>>, vector<2048x64xf32>
    %get3A_9 = arith.constant 0 : index
    %get3A_10 = arith.constant 0 : index
    %get3A_11 = vector.load %arg4[%get3A_9, %get3A_10] : memref<64x128xf32, #tpu.memory_space<vmem>>, vector<64x128xf32>
    %dot_general3A_12 = arith.constant dense<0.000000e+00> : vector<2048x128xf32>
    %dot_general3A_13 = tpu.matmul %get3A_8, %get3A_11, %dot_general3A_12 {dimension_numbers = #tpu.dot_dimension_numbers<[1], [0], [0], [1], [0, 0, 1, 1], [], []>, transpose_lhs_hint = false} : vector<2048x64xf32>, vector<64x128xf32>, vector<2048x128xf32> -> vector<2048x128xf32>
    %add3A = arith.addf %dot_general3A_5, %dot_general3A_13 : vector<2048x128xf32>
    %get3A_14 = arith.constant 0 : index
    %get3A_15 = arith.constant 0 : index
    %get3A_16 = vector.load %arg5[%get3A_14, %get3A_15] : memref<1x128xf32, #tpu.memory_space<vmem>>, vector<1x128xf32>
    %add3A_17 = vector.broadcast %get3A_16 : vector<1x128xf32> to vector<2048x128xf32>
    %add3A_18 = arith.addf %add3A, %add3A_17 : vector<2048x128xf32>
    %max3A = arith.constant 0.000000e+00 : f32
    %max3A_19 = vector.broadcast %max3A : f32 to vector<2048x128xf32>
    %max3A_20 = arith.maximumf %add3A_18, %max3A_19 : vector<2048x128xf32>
    %get3A_21 = arith.constant 0 : index
    %get3A_22 = arith.constant 0 : index
    %get3A_23 = vector.load %arg6[%get3A_21, %get3A_22] : memref<128x64xf32, #tpu.memory_space<vmem>>, vector<128x64xf32>
    %dot_general3A_24 = arith.constant dense<0.000000e+00> : vector<2048x64xf32>
    %dot_general3A_25 = tpu.matmul %max3A_20, %get3A_23, %dot_general3A_24 {dimension_numbers = #tpu.dot_dimension_numbers<[1], [0], [0], [1], [0, 0, 1, 1], [], []>, transpose_lhs_hint = false} : vector<2048x128xf32>, vector<128x64xf32>, vector<2048x64xf32> -> vector<2048x64xf32>
    %get3A_26 = arith.constant 0 : index
    %get3A_27 = arith.constant 0 : index
    %get3A_28 = vector.load %arg7[%get3A_26, %get3A_27] : memref<1x64xf32, #tpu.memory_space<vmem>>, vector<1x64xf32>
    %add3A_29 = vector.broadcast %get3A_28 : vector<1x64xf32> to vector<2048x64xf32>
    %add3A_30 = arith.addf %dot_general3A_25, %add3A_29 : vector<2048x64xf32>
    %max3A_31 = arith.constant 0.000000e+00 : f32
    %max3A_32 = vector.broadcast %max3A_31 : f32 to vector<2048x64xf32>
    %max3A_33 = arith.maximumf %add3A_30, %max3A_32 : vector<2048x64xf32>
    %get3A_34 = arith.constant 0 : index
    %get3A_35 = arith.constant 0 : index
    %get3A_36 = vector.load %arg8[%get3A_34, %get3A_35] : memref<64x32xf32, #tpu.memory_space<vmem>>, vector<64x32xf32>
    %dot_general3A_37 = arith.constant dense<0.000000e+00> : vector<2048x32xf32>
    %dot_general3A_38 = tpu.matmul %max3A_33, %get3A_36, %dot_general3A_37 {dimension_numbers = #tpu.dot_dimension_numbers<[1], [0], [0], [1], [0, 0, 1, 1], [], []>, transpose_lhs_hint = false} : vector<2048x64xf32>, vector<64x32xf32>, vector<2048x32xf32> -> vector<2048x32xf32>
    %get3A_39 = arith.constant 0 : index
    %get3A_40 = arith.constant 0 : index
    %get3A_41 = vector.load %arg9[%get3A_39, %get3A_40] : memref<1x32xf32, #tpu.memory_space<vmem>>, vector<1x32xf32>
    %add3A_42 = vector.broadcast %get3A_41 : vector<1x32xf32> to vector<2048x32xf32>
    %add3A_43 = arith.addf %dot_general3A_38, %add3A_42 : vector<2048x32xf32>
    %max3A_44 = arith.constant 0.000000e+00 : f32
    %max3A_45 = vector.broadcast %max3A_44 : f32 to vector<2048x32xf32>
    %max3A_46 = arith.maximumf %add3A_43, %max3A_45 : vector<2048x32xf32>
    %get3A_47 = arith.constant 0 : index
    %get3A_48 = arith.constant 0 : index
    %get3A_49 = vector.load %arg10[%get3A_47, %get3A_48] : memref<1x32xf32, #tpu.memory_space<vmem>>, vector<1x32xf32>
    %mul3A = vector.broadcast %get3A_49 : vector<1x32xf32> to vector<2048x32xf32>
    %mul3A_50 = arith.mulf %max3A_46, %mul3A : vector<2048x32xf32>
    %reduce_sum3A = arith.constant dense<0.000000e+00> : vector<2048xf32>
    %reduce_sum3A_51 = vector.multi_reduction <add>, %mul3A_50, %reduce_sum3A [1] : vector<2048x32xf32> to vector<2048xf32>
    %broadcast_in_dim3A = vector.shape_cast %reduce_sum3A_51 : vector<2048xf32> to vector<2048x1xf32>
    %get3A_52 = arith.constant 0 : index
    %get3A_53 = arith.constant 0 : index
    %get3A_54 = vector.load %arg11[%get3A_52, %get3A_53] : memref<1x1xf32, #tpu.memory_space<vmem>>, vector<1x1xf32>
    %add3A_55 = vector.broadcast %get3A_54 : vector<1x1xf32> to vector<2048x1xf32>
    %add3A_56 = arith.addf %broadcast_in_dim3A, %add3A_55 : vector<2048x1xf32>
    %neg3A = arith.constant 0.000000e+00 : f32
    %neg3A_57 = vector.broadcast %neg3A : f32 to vector<2048x1xf32>
    %neg3A_58 = arith.subf %neg3A_57, %add3A_56 : vector<2048x1xf32>
    %exp3A = math.exp %neg3A_58 : vector<2048x1xf32>
    %add3A_59 = arith.constant 1.000000e+00 : f32
    %add3A_60 = vector.broadcast %add3A_59 : f32 to vector<2048x1xf32>
    %add3A_61 = arith.addf %add3A_60, %exp3A : vector<2048x1xf32>
    %div3A = arith.constant 1.000000e+00 : f32
    %div3A_62 = vector.broadcast %div3A : f32 to vector<2048x1xf32>
    %div3A_63 = arith.divf %div3A_62, %add3A_61 : vector<2048x1xf32>
    %swap3A = arith.constant 0 : index
    %swap3A_64 = arith.constant 0 : index
    %swap3A_65 = vector.load %arg12[%swap3A, %swap3A_64] : memref<2048x1xf32, #tpu.memory_space<vmem>>, vector<2048x1xf32>
    tpu.vector_store %arg12[%swap3A, %swap3A_64], %div3A_63 {strides = array<i32>} : memref<2048x1xf32, #tpu.memory_space<vmem>>, vector<2048x1xf32>,
    return
  }
  func.func @transform_0(%arg0: i32) -> (i32, i32) {
    %c0_i32 = arith.constant 0 : i32
    %c0_i32_0 = arith.constant 0 : i32
    return %arg0, %c0_i32 : i32, i32
  }
  func.func @transform_1(%arg0: i32) -> (i32, i32) {
    %c0_i32 = arith.constant 0 : i32
    %c0_i32_0 = arith.constant 0 : i32
    return %arg0, %c0_i32 : i32, i32
  }
  func.func @transform_2(%arg0: i32) -> (i32, i32) {
    %c0_i32 = arith.constant 0 : i32
    %c0_i32_0 = arith.constant 0 : i32
    %c0_i32_1 = arith.constant 0 : i32
    return %c0_i32, %c0_i32_0 : i32, i32
  }
  func.func @transform_3(%arg0: i32) -> (i32, i32) {
    %c0_i32 = arith.constant 0 : i32
    %c0_i32_0 = arith.constant 0 : i32
    %c0_i32_1 = arith.constant 0 : i32
    return %c0_i32, %c0_i32_0 : i32, i32
  }
  func.func @transform_4(%arg0: i32) -> (i32, i32) {
    %c0_i32 = arith.constant 0 : i32
    %c0_i32_0 = arith.constant 0 : i32
    %c0_i32_1 = arith.constant 0 : i32
    return %c0_i32, %c0_i32_0 : i32, i32
  }
  func.func @transform_5(%arg0: i32) -> (i32, i32) {
    %c0_i32 = arith.constant 0 : i32
    %c0_i32_0 = arith.constant 0 : i32
    %c0_i32_1 = arith.constant 0 : i32
    return %c0_i32, %c0_i32_0 : i32, i32
  }
  func.func @transform_6(%arg0: i32) -> (i32, i32) {
    %c0_i32 = arith.constant 0 : i32
    %c0_i32_0 = arith.constant 0 : i32
    %c0_i32_1 = arith.constant 0 : i32
    return %c0_i32, %c0_i32_0 : i32, i32
  }
  func.func @transform_7(%arg0: i32) -> (i32, i32) {
    %c0_i32 = arith.constant 0 : i32
    %c0_i32_0 = arith.constant 0 : i32
    %c0_i32_1 = arith.constant 0 : i32
    return %c0_i32, %c0_i32_0 : i32, i32
  }
  func.func @transform_8(%arg0: i32) -> (i32, i32) {
    %c0_i32 = arith.constant 0 : i32
    %c0_i32_0 = arith.constant 0 : i32
    %c0_i32_1 = arith.constant 0 : i32
    return %c0_i32, %c0_i32_0 : i32, i32
  }
  func.func @transform_9(%arg0: i32) -> (i32, i32) {
    %c0_i32 = arith.constant 0 : i32
    %c0_i32_0 = arith.constant 0 : i32
    %c0_i32_1 = arith.constant 0 : i32
    return %c0_i32, %c0_i32_0 : i32, i32
  }
  func.func @transform_10(%arg0: i32) -> (i32, i32) {
    %c0_i32 = arith.constant 0 : i32
    %c0_i32_0 = arith.constant 0 : i32
    %c0_i32_1 = arith.constant 0 : i32
    return %c0_i32, %c0_i32_0 : i32, i32
  }
  func.func @transform_11(%arg0: i32) -> (i32, i32) {
    %c0_i32 = arith.constant 0 : i32
    %c0_i32_0 = arith.constant 0 : i32
    return %arg0, %c0_i32 : i32, i32
  }
}

</mosaic_0001>

<sc_bundles>
// kernel: kernel.4.cloned.1.call-start
scs
__scs_entry_jumppad:
0x0: {  	(pc) =	sbr.rel $0x88, $3  }
0x1: {  	(tag) =	ssettag $0x0;
	lr =	simm.s32 $0x1  }
0x2: {  	[smem:$0x3F95] =	sst lr;
	_ =	strace $0xD0000000  }
0x3: {  	_ = 	snop  }
0x4: {  	_ = 	snop  }
0x5: {  	_ = 	snop  }
0x6: {  	_ = 	snop  }
0x7: {  	_ = 	snop  }
__scs_overlays_trampoline_lowered:
0x8: {  	[smem:$0x3FA4] =	sst s0  }
0x9: {  	[smem:$0x3FA5] =	sst s1  }
0xa: {  	[smem:$0x3FA6] =	sst s2  }
0xb: {  	[smem:$0x3FA7] =	sst s3  }
0xc: {  	[smem:$0x3FA8] =	sst s4  }
0xd: {  	[smem:$0x3FA9] =	sst s5  }
0xe: {  	[smem:$0x3FAA] =	sst s6  }
0xf: {  	[smem:$0x3FAB] =	sst s7  }
0x10: {  	[smem:$0x3FAC] =	sst s8  }
0x11: {  	[smem:$0x3FAD] =	sst s9;
	s0 =	simm.s32 @!p0 $0x0  }
0x12: {  	s1 =	sld [smem:$0x3F93];
	s0 =	simm.s32 @p0 $0x1  }
0x13: {  	[smem:$0x3FAE] =	sst s0;
	s0 =	simm.s32 @!p1 $0x0  }
0x14: {  	s2 =	sld [smem:$0x3F92];
	s0 =	simm.s32 @p1 $0x1  }
0x15: {  	[smem:$0x3FAF] =	sst s0;
	s0 =	simm.s32 @!p2 $0x0  }
0x16: {  	s3 =	sld [smem:$0x3FDB];
	s0 =	simm.s32 @p2 $0x1  }
0x17: {  	s4 =	simm.s32 $0x1BF5;
	[smem:$0x3FB1] =	sst s0  }
0x18: {  	s0 =	sld [smem:$0x3F94];
	_ =	swait.ge [sflag:s4], $0x0  }
0x19: {  	s7 =	sld [smem:$0x3F95]  }
0x1a: {  	s8 =	sadd.s32 $0xFFFFE003, lr  }
0x1b: {  	s9 =	sadd.s32 $0xFFFFFEF7, lr;
	s5 =	simm.s32 $0xFFFFFFFF;
	p2 =	slt.u32 s8, $0xFFFFF086  }
0x1c: {  	p1 =	slt.u32 s9, $0xF7A;
	s5 =	simm.s32 @!p2 $0x0  }
0x1d: {  	s5 =	simm.s32 @p1 $0x1;
	p0 =	seq.s32 s7, s2  }
0x1e: {  	s7 =	smul.u32 @!p0 $0xF7A, s2;
	p2 =	seq.s32 @!p0 s5, $0x0  }
0x1f: {  	s9 =	smul.u32 $0xF7A, s1;
	s8 =	simm.s32 @!p0 $0x1BF5;
	p2 =	por !p2, p0  }
0x20: {  	[sflag:s8] =	ssyncset.s32 @!p0 $0xFFFFF086;
	s6 =	sadd.s32 @!p0 s3, s7;
	s7 =	simm.s32 @!p0 $0x108  }
0x21: {  	s3 =	sadd.s32 s3, s9;
	s6 =	sadd.s32 @!p0 $0x88, s6;
	s7 =	simm.s32 @p2 $0x1082  }
0x22: {  	[simem:s7], [sflag:s8] =	dma.local @!p0 [hbm:s6], $0xF7A  }
0x23: {  	s9 =	sor.u32 $0xD0000000, s2;
	s6 =	simm.s32 $0x108;
	_ =	swait.ge @!p0 [sflag:s8], $0x0  }
0x24: {  	s3 =	sadd.s32 $0x88, s3;
	s6 =	simm.s32 @!p1 $0x1082;
	[sflag:s4] =	ssyncset.s32 $0xFFFFF086  }
0x25: {  	[simem:s6], [sflag:s4] =	dma.local [hbm:s3], $0xF7A  }
0x26: {  	[smem:$0x3F95] =	sst s1;
	(tag) =	ssettag s2;
	_ =	strace s9  }
0x27: {  	s1 =	sld [smem:$0x3FA5]  }
0x28: {  	s2 =	sld [smem:$0x3FA6]  }
0x29: {  	s4 =	sld [smem:$0x3FA8]  }
0x2a: {  	p0 =	seq.s32 s5, $0x0;
	s5 =	sld [smem:$0x3FA9]  }
0x2b: {  	s6 =	sld [smem:$0x3FAA]  }
0x2c: {  	s7 =	sld [smem:$0x3FAB]  }
0x2d: {  	s3 =	simm.s32 $0x108;
	s8 =	sld [smem:$0x3FAC]  }
0x2e: {  	s3 =	simm.s32 @!p0 $0x1082;
	s9 =	sld [smem:$0x3FAD]  }
0x2f: {  	lr =	sadd.s32 s0, s3;
	s0 =	sld [smem:$0x3FA4]  }
0x30: {  	s3 =	sld [smem:$0x3FA7]  }
0x31: {  	[smem:$0x3FB0] =	sst s10  }
0x32: {  	s10 =	sld [smem:$0x3FAE];
	_ =	sdelay $0x3  }
0x33: {  	p0 =	seq.s32 s10, $0x1;
	s10 =	sld [smem:$0x3FB0];
	_ =	sdelay $0x3  }
0x34: {  	[smem:$0x3FB0] =	sst s10  }
0x35: {  	s10 =	sld [smem:$0x3FAF];
	_ =	sdelay $0x3  }
0x36: {  	p1 =	seq.s32 s10, $0x1;
	s10 =	sld [smem:$0x3FB0];
	_ =	sdelay $0x3  }
0x37: {  	[smem:$0x3FB0] =	sst s10  }
0x38: {  	s10 =	sld [smem:$0x3FB1]  }
0x39: {  	_ = 	snop;
	(pc) =	sbr.ind lr, $3  }
0x3a: {  	_ = 	snop  }
0x3b: {  	_ = 	snop  }
0x3c: {  	p2 =	seq.s32 s10, $0x1;
	s10 =	sld [smem:$0x3FB0]  }
0x3d: {  	_ =	shalt  }
0x3e: {  	_ =	shalt  }
0x3f: {  	_ =	shalt  }
0x40: {  	_ =	shalt  }
0x41: {  	_ =	shalt  }
0x42: {  	_ =	shalt  }
0x43: {  	_ =	shalt  }
0x44: {  	_ =	shalt  }
0x45: {  	_ =	shalt  }
0x46: {  	_ =	shalt  }
0x47: {  	_ =	shalt  }
0x48: {  	_ =	shalt  }
0x49: {  	_ =	shalt  }
0x4a: {  	_ =	shalt  }
0x4b: {  	_ =	shalt  }
0x4c: {  	_ =	shalt  }
0x4d: {  	_ =	shalt  }
0x4e: {  	_ =	shalt  }
0x4f: {  	_ =	shalt  }
0x50: {  	_ =	shalt  }
0x51: {  	_ =	shalt  }
0x52: {  	_ =	shalt  }
0x53: {  	_ =	shalt  }
0x54: {  	_ =	shalt  }
0x55: {  	_ =	shalt  }
0x56: {  	_ =	shalt  }
0x57: {  	_ =	shalt  }
0x58: {  	_ =	shalt  }
0x59: {  	_ =	shalt  }
0x5a: {  	_ =	shalt  }
0x5b: {  	_ =	shalt  }
0x5c: {  	_ =	shalt  }
0x5d: {  	_ =	shalt  }
0x5e: {  	_ =	shalt  }
0x5f: {  	_ =	shalt  }
0x60: {  	_ =	shalt  }
0x61: {  	_ =	shalt  }
0x62: {  	_ =	shalt  }
0x63: {  	_ =	shalt  }
0x64: {  	_ =	shalt  }
0x65: {  	_ =	shalt  }
0x66: {  	_ =	shalt  }
0x67: {  	_ =	shalt  }
0x68: {  	_ =	shalt  }
0x69: {  	_ =	shalt  }
0x6a: {  	_ =	shalt  }
0x6b: {  	_ =	shalt  }
0x6c: {  	_ =	shalt  }
0x6d: {  	_ =	shalt  }
0x6e: {  	_ =	shalt  }
0x6f: {  	_ =	shalt  }
0x70: {  	_ =	shalt  }
0x71: {  	_ =	shalt  }
0x72: {  	_ =	shalt  }
0x73: {  	_ =	shalt  }
0x74: {  	_ =	shalt  }
0x75: {  	_ =	shalt  }
0x76: {  	_ =	shalt  }
0x77: {  	_ =	shalt  }
0x78: {  	_ =	shalt  }
0x79: {  	_ =	shalt  }
0x7a: {  	_ =	shalt  }
0x7b: {  	_ =	shalt  }
0x7c: {  	_ =	shalt  }
0x7d: {  	_ =	shalt  }
0x7e: {  	_ =	shalt  }
0x7f: {  	_ =	shalt  }
0x80: {  	_ =	shalt  }
0x81: {  	_ =	shalt  }
0x82: {  	_ =	shalt  }
0x83: {  	_ =	shalt  }
0x84: {  	_ =	shalt  }
0x85: {  	_ =	shalt  }
0x86: {  	_ =	shalt  }
0x87: {  	_ =	shalt  }
.Lfunc_end0:
.L_simem_size_0:
called_computation_lowered:
.L_overlay_start_0:
0x88: {  	s2 =	sld [smem:$0x3FD9]  }
0x89: {  	s3 =	sld [smem:$0x3FFE];
	_ =	sdelay $0x1  }
0x8a: {  	s1 =	srdreg.scid  }
0x8b: {  	s0 =	sand.u32 $0x1, s1  }
0x8c: {  	s17 =	sshll.u32 s0, $0xA;
	s2 =	sadd.s32 s3, s2  }
0x8d: {  	s2 =	sadd.s32 s2, s17  }
0x8e: {  	[smem:$0x3FBC] =	sst s2  }
0x8f: {  	_ = 	snop  }
0x90: {  	s2 =	sld [smem:$0x3FC9]  }
0x91: {  	s18 =	sld [smem:$0x3FC8];
	(tm) =	ssettm $0x1  }
0x92: {  	s4 =	sld [smem:$0x3FFB];
	_ =	sdelay $0x3  }
0x93: {  	_ =	strace s4  }
0x94: {  	s4 =	sld [smem:$0x3FFC];
	_ =	sdelay $0x3  }
0x95: {  	_ =	strace s4  }
0x96: {  	s4 =	sld [smem:$0x3FFD];
	_ =	sdelay $0x3  }
0x97: {  	_ =	strace s4  }
0x98: {  	_ =	strace $0x8FFFFFFF  }
0x99: {  	s19 =	sld [smem:$0x3FDB];
	_ =	sdelay $0x1  }
0x9a: {  	s5 =	simm.s32 $_scs_section_size  }
0x9b: {  	s6 =	simm.s32 $_size__tile_overlayer_lowered;
	s7 =	simm.s32 $_tile_overlayer_lowered  }
0x9c: {  	s22 =	simm.s32 $0x1BFF;
	s21 =	sshll.u32 s7, $0x1;
	s4 =	sadd.s32 s5, s19  }
0x9d: {  	s8 =	simm.s32 $0x0;
	s20 =	sshll.u32 s6, $0x1;
	s6 =	sadd.s32 s21, s4  }
0x9e: {  	[timem:s8], [sflag:s22] =	dma.local [hbm:s6], s20  }
0x9f: {  	_ =	swait.ge [sflag:s22], s20  }
0xa0: {  	s5 =	ssub.s32 $0x0, s20;
	[sflag:s22] =	ssyncset.done $0x0  }
0xa1: {  	[sflag:s22] =	ssyncadd.s32 s5;
	_ =	sdelay $0x1  }
0xa2: {  	s23 =	simm.s32 $0x1B8B  }
0xa3: {  	_ =	swait.ge [sflag:s23], $0x1  }
0xa4: {  	[sflag:s23] =	ssyncset.done $0x0  }
0xa5: {  	s25 =	simm.s32 $0x1B8E;
	s24 =	sld [smem:$0x3FFE];
	[sflag:s23] =	ssyncadd.s32 $0xFFFFFFFF  }
0xa6: {  	s26 =	simm.s32 $execute0_lowered;
	[smem:$0x3FD2] =	sst s25  }
0xa7: {  	s6 =	sshll.u32 s26, $0x1;
	_ =	strace $0x80000046;
	[dreg:$0x1] =	wrdreg $0xFFFFFFFF  }
0xa8: {  	s28 =	simm.s32 $_size_execute0_lowered;
	s4 =	sadd.s32 s4, s6;
	[dreg:$0x0] =	wrdreg $0x0  }
0xa9: {  	s6 =	sshll.u32 s28, $0x1;
	[dreg:$0x2] =	wrdreg s4  }
0xaa: {  	[dreg:$0x3] =	wrdreg s6  }
0xab: {  	[dreg:$0x4] =	wrdreg $0xC0  }
0xac: {  	_ =	task [dreg:s8], $0x5FFFF  }
0xad: {  	[dreg:$0x1] =	wrdreg $0xFFFFFFFF  }
0xae: {  	[dreg:$0x0] =	wrdreg $0x60  }
0xaf: {  	[dreg:$0x2] =	wrdreg s2  }
0xb0: {  	[dreg:$0x3] =	wrdreg s18  }
0xb1: {  	[dreg:$0x4] =	wrdreg s24  }
0xb2: {  	[dreg:$0x5] =	wrdreg $0x9  }
0xb3: {  	_ =	task.clear_ibuf [dreg:s8], $0x6FFFF;
	_ =	strace $0x90000046  }
0xb4: {  	s29 =	simm.s32 $0x9;
	_ =	strace $0x80000048  }
0xb5: {  	_ =	swait.ge [sflag:s29], $0x1  }
0xb6: {  	[sflag:s29] =	ssyncadd.s32 $0xFFFFFFFF  }
0xb7: {  	_ =	strace $0x90000048  }
0xb8: {  	_ =	sfence  }
0xb9: {  	s30 =	sld [smem:$0x0];
	_ =	sdelay $0x2  }
0xba: {  	s31 =	sshll.u32 s1, $0xD;
	s1 =	sshrl.u32 s1, $0x2  }
0xbb: {  	s3 =	sand.u32 $0x4000, s31;
	s1 =	sadd.s32 s1, s30  }
0xbc: {  	s0 =	sor.u32 s3, s0;
	s1 =	sshll.u32 s1, $0x11  }
0xbd: {  	s0 =	sor.u32 s1, s0  }
0xbe: {  	s0 =	sadd.s32 $0x8F2B, s0  }
0xbf: {  	[sflag:s0] =	ssyncadd.remote.s32 $0x1  }
0xc0: {  	_ =	sfence.sel $0xFFFF  }
0xc1: {  	[dreg:$0x0] =	wrdreg $0xFFFFFFFF;
	(pc) =	sbr.abs _section_cstart, $3  }
0xc2: {  	[dreg:$0x1] =	wrdreg $0xFFFFFFFF  }
0xc3: {  	_ =	task.clear_ibuf [dreg:s8], $0x2FFFF;
	_ =	strace $0x9FFFFFFF  }
0xc4: {  	(tm) =	ssettm $0x7FFFFFFF  }
0xc5: {  	_ =	shalt  }
tec
execute0_lowered:
.L_overlay_start_1:
0x0: {  	(tag) =	ssettag $0x1  }
0x1: {  	s5 =	rddreg [dreg:$0x0]  }
0x2: {  	s7 =	rddreg [dreg:$0x1]  }
0x3: {  	s6 =	rddreg [dreg:$0x2];
	s2 =	simm.s32 $0x0  }
0x4: {  	s3 =	srdreg.scid;
	s0 =	stileid.u32;
	s13 =	simm.s32 $0x0  }
0x5: {  	[smem:$0x7FF] =	sst s2;
	s4 =	sand.u32 $0x1, s3;
	s8 =	sshll.u32 s0, $0xA  }
0x6: {  	s3 =	sadd.s32 $0x1C00, s6;
	s9 =	sshll.u32 s4, $0x9;
	s31 =	ssub.s32 $0x2, s4  }
0x7: {  	_ =	strace $0x80000047;
	s8 =	sor.u32 s9, s8;
	s11 =	sshrl.u32 s31, $0x1  }
0x8: {  	s4 =	sadd.s32 $0xF44000, s6;
	s10 =	sshll.u32 s8, $0x4;
	s9 =	ssub.s32 s31, s11  }
0x9: {  	s8 =	sshrl.u32 s8, $0x3;
	s11 =	simm.s32 $0x1;
	s10 =	sadd.s32 s10, s6  }
0xa: {  	s5 =	sadd.s32 s5, s8;
	s7 =	sadd.s32 s7, s8;
	s9 =	smax.u32 s9, $0x1  }
0xb: {  	s6 =	sadd.s32 $0x10CAA00, s10;
	s8 =	sadd.s32 $0x110AA00, s10;
	s10 =	simm.s32 $0x2  }
.LBB2_1:
0xc: {  	[tilespmem:s2], [sflag:$0x2] =	stream.linear.gather [hbm4b:s5+s2], $0x200, $0x38;
	[tilespmem:$0x10200] =	vst v63  }
0xd: {  	_ =	swait.ge [sflag:s10], $0x200  }
0xe: {  	[sflag:s10] =	ssyncset.done $0x0  }
0xf: {  	[sflag:s10] =	ssyncadd.s32 $0xFFFFFE00  }
0x10: {  	v0 =	vld [tilespmem:s2+$0x0];
	_ =	sdelay $0x4  }
0x11: {  	v0 =	vshll.u32 v0, $0x4  }
0x12: {  	(v2sf) =	vpush v0, $0x0  }
0x13: {  	(v2sf) =	vpush v0, $0x1  }
0x14: {  	(v2sf) =	vpush v0, $0x2;
	_ =	sdelay $0x1  }
0x15: {  	(v2sf) =	vpush v0, $0x4;
	_ =	sdelay $0x1  }
0x16: {  	(v2sf) =	vpush v0, $0x3  }
0x17: {  	(v2sf) =	vpush v0, $0x5  }
0x18: {  	s15 =	simm.s32 $0x2000;
	s14 =	simm.s32 $0x0;
	s16 =	simm.s32 $0x0;
	(v2sf) =	vpush v0, $0x6  }
.LBB2_2:
0x19: {  	p0 =	sne.s32 s15, $0x3E000  }
0x1a: {  	s26 =	sadd.s32 $0x280, s14;
	s20 =	sadd.s32 $0x780, s14;
	s17 =	smov.u32 s15  }
0x1b: {  	s15 =	sadd.s32 $0x2000, s15;
	s23 =	sadd.s32 $0x580, s14;
	s18 =	sadd.s32 $0x800, s14;
	(v2sf) =	vpush v0, $0x7  }
0x1c: {  	s25 =	sadd.s32 $0x480, s14;
	s22 =	sadd.s32 $0x600, s14;
	s19 =	sadd.s32 $0x880, s14  }
0x1d: {  	s28 =	sadd.s32 $0x200, s14;
	s29 =	sadd.s32 $0x400, s14;
	(v2sf) =	vpush v0, $0x8  }
0x1e: {  	s30 =	sadd.s32 $0x500, s14;
	s16 =	sadd.s32 $0x10, s16  }
0x1f: {  	s31 =	sadd.s32 $0x300, s14;
	s21 =	sadd.s32 $0x700, s14;
	s24 =	spop (v2sf);
	(v2sf) =	vpush v0, $0x9  }
0x20: {  	s0 =	sand.u32 $0x1FFFFFF0, s24;
	s24 =	sadd.s32 $0x680, s14;
	s1 =	spop (v2sf)  }
0x21: {  	s0 =	sadd.s32 s3, s0;
	s1 =	sand.u32 $0x1FFFFFF0, s1;
	s12 =	spop (v2sf);
	(v2sf) =	vpush v0, $0xA  }
0x22: {  	[tilespmem:s28], [sflag:$0x1] =	stream.linear.gather [hbm4b:s0+s2], $0x80, $0x38;
	[tilespmem:$0x10200] =	vst v63  }
0x23: {  	s0 =	sadd.s32 s3, s1;
	s1 =	sadd.s32 $0x380, s14;
	s28 =	spop (v2sf);
	(v2sf) =	vpush v0, $0xB  }
0x24: {  	[tilespmem:s26], [sflag:$0x1] =	stream.linear.gather [hbm4b:s0+s2], $0x80, $0x38;
	[tilespmem:$0x10200] =	vst v63  }
0x25: {  	s0 =	sand.u32 $0x1FFFFFF0, s12;
	s12 =	sand.u32 $0x1FFFFFF0, s28;
	s26 =	spop (v2sf);
	(v2sf) =	vpush v0, $0xC  }
0x26: {  	s0 =	sadd.s32 s3, s0;
	s26 =	sand.u32 $0x1FFFFFF0, s26;
	s28 =	spop (v2sf)  }
0x27: {  	[tilespmem:s31], [sflag:$0x1] =	stream.linear.gather [hbm4b:s0+s2], $0x80, $0x38;
	(v2sf) =	vpush v0, $0xD;
	[tilespmem:$0x10200] =	vst v63  }
0x28: {  	s0 =	sadd.s32 s3, s26;
	s26 =	sand.u32 $0x1FFFFFF0, s28;
	s28 =	spop (v2sf)  }
0x29: {  	[tilespmem:s1], [sflag:$0x1] =	stream.linear.gather [hbm4b:s0+s2], $0x80, $0x38;
	(v2sf) =	vpush v0, $0xE;
	[tilespmem:$0x10200] =	vst v63  }
0x2a: {  	s0 =	sadd.s32 s3, s12;
	s1 =	sand.u32 $0x1FFFFFF0, s28;
	s12 =	spop (v2sf)  }
0x2b: {  	[tilespmem:s29], [sflag:$0x1] =	stream.linear.gather [hbm4b:s0+s2], $0x80, $0x38;
	(v2sf) =	vpush v0, $0xF;
	[tilespmem:$0x10200] =	vst v63  }
0x2c: {  	s0 =	sadd.s32 s3, s26;
	s12 =	sand.u32 $0x1FFFFFF0, s12;
	s26 =	spop (v2sf)  }
0x2d: {  	[tilespmem:s25], [sflag:$0x1] =	stream.linear.gather [hbm4b:s0+s2], $0x80, $0x38;
	[tilespmem:$0x10200] =	vst v63  }
0x2e: {  	s0 =	sadd.s32 s3, s1;
	s1 =	sand.u32 $0x1FFFFFF0, s26;
	s25 =	spop (v2sf)  }
0x2f: {  	[tilespmem:s30], [sflag:$0x1] =	stream.linear.gather [hbm4b:s0+s2], $0x80, $0x38;
	[tilespmem:$0x10200] =	vst v63  }
0x30: {  	s0 =	sadd.s32 s3, s12;
	s12 =	sand.u32 $0x1FFFFFF0, s25;
	s25 =	spop (v2sf)  }
0x31: {  	[tilespmem:s23], [sflag:$0x1] =	stream.linear.gather [hbm4b:s0+s2], $0x80, $0x38;
	[tilespmem:$0x10200] =	vst v63  }
0x32: {  	s0 =	sadd.s32 s3, s1;
	s1 =	sand.u32 $0x1FFFFFF0, s25;
	s23 =	spop (v2sf)  }
0x33: {  	[tilespmem:s22], [sflag:$0x1] =	stream.linear.gather [hbm4b:s0+s2], $0x80, $0x38;
	[tilespmem:$0x10200] =	vst v63  }
0x34: {  	s0 =	sadd.s32 s3, s12;
	s12 =	sand.u32 $0x1FFFFFF0, s23;
	s22 =	spop (v2sf)  }
0x35: {  	[tilespmem:s24], [sflag:$0x1] =	stream.linear.gather [hbm4b:s0+s2], $0x80, $0x38;
	[tilespmem:$0x10200] =	vst v63  }
0x36: {  	s0 =	sadd.s32 s3, s1;
	s1 =	sand.u32 $0x1FFFFFF0, s22;
	s22 =	spop (v2sf)  }
0x37: {  	[tilespmem:s21], [sflag:$0x1] =	stream.linear.gather [hbm4b:s0+s2], $0x80, $0x38;
	[tilespmem:$0x10200] =	vst v63  }
0x38: {  	s0 =	sadd.s32 s3, s12;
	s12 =	sand.u32 $0x1FFFFFF0, s22;
	s21 =	spop (v2sf)  }
0x39: {  	[tilespmem:s20], [sflag:$0x1] =	stream.linear.gather [hbm4b:s0+s2], $0x80, $0x38;
	[tilespmem:$0x10200] =	vst v63  }
0x3a: {  	s0 =	sadd.s32 s3, s1;
	s1 =	sand.u32 $0x1FFFFFF0, s21;
	s20 =	spop (v2sf)  }
0x3b: {  	[tilespmem:s18], [sflag:$0x1] =	stream.linear.gather [hbm4b:s0+s2], $0x80, $0x38;
	[tilespmem:$0x10200] =	vst v63  }
0x3c: {  	s0 =	sadd.s32 s3, s12;
	s12 =	sand.u32 $0x1FFFFFF0, s20  }
0x3d: {  	[tilespmem:s19], [sflag:$0x1] =	stream.linear.gather [hbm4b:s0+s2], $0x80, $0x38;
	[tilespmem:$0x10200] =	vst v63  }
0x3e: {  	s1 =	sadd.s32 s3, s1;
	s0 =	sadd.s32 $0x900, s14  }
0x3f: {  	[tilespmem:s0], [sflag:$0x1] =	stream.linear.gather [hbm4b:s1+s2], $0x80, $0x38;
	[tilespmem:$0x10200] =	vst v63  }
0x40: {  	s0 =	sadd.s32 $0x980, s14;
	s1 =	sadd.s32 s3, s12  }
0x41: {  	[tilespmem:s0], [sflag:$0x1] =	stream.linear.gather [hbm4b:s1+s2], $0x80, $0x38;
	[tilespmem:$0x10200] =	vst v63  }
0x42: {  	v0 =	vld [tilespmem:s16+$0x0];
	_ =	sdelay $0x4  }
0x43: {  	v0 =	vshll.u32 v0, $0x4  }
0x44: {  	(v2sf) =	vpush v0, $0x0  }
0x45: {  	(v2sf) =	vpush v0, $0x1  }
0x46: {  	(v2sf) =	vpush v0, $0x2;
	_ =	sdelay $0x1  }
0x47: {  	(v2sf) =	vpush v0, $0x4  }
.Ltmp0:
0x48: {  	(pc) =	sbr.rel @p0 .LBB2_2-.Ltmp0, $3  }
0x49: {  	(v2sf) =	vpush v0, $0x3  }
0x4a: {  	(v2sf) =	vpush v0, $0x5;
	_ =	sdelay $0x1  }
0x4b: {  	s14 =	sshra.s32 s17, $0x2;
	(v2sf) =	vpush v0, $0x6  }
0x4c: {  	_ =	sdelay $0x1  }
0x4d: {  	s0 =	sadd.s32 $0x280, s14;
	s17 =	sadd.s32 $0x780, s14  }
0x4e: {  	s1 =	sadd.s32 $0x580, s14;
	s15 =	sadd.s32 $0x800, s14;
	(v2sf) =	vpush v0, $0x7;
	s12 =	sadd.s32 $0x480, s14  }
0x4f: {  	s18 =	sadd.s32 $0x600, s14;
	s16 =	sadd.s32 $0x880, s14;
	s19 =	sadd.s32 $0x200, s14  }
0x50: {  	s20 =	sadd.s32 $0x400, s14;
	s21 =	sadd.s32 $0x500, s14;
	(v2sf) =	vpush v0, $0x8;
	s22 =	spop (v2sf)  }
0x51: {  	s23 =	sadd.s32 $0x300, s14;
	s22 =	sand.u32 $0x1FFFFFF0, s22;
	s24 =	spop (v2sf)  }
0x52: {  	(v2sf) =	vpush v0, $0x9;
	s22 =	sadd.s32 s3, s22;
	s24 =	sand.u32 $0x1FFFFFF0, s24;
	s25 =	spop (v2sf)  }
0x53: {  	[tilespmem:s19], [sflag:$0x1] =	stream.linear.gather [hbm4b:s22+s2], $0x80, $0x38;
	[tilespmem:$0x10200] =	vst v63  }
0x54: {  	s26 =	sadd.s32 $0x380, s14;
	(v2sf) =	vpush v0, $0xA;
	s30 =	sadd.s32 s3, s24;
	s31 =	spop (v2sf)  }
0x55: {  	[tilespmem:s0], [sflag:$0x1] =	stream.linear.gather [hbm4b:s30+s2], $0x80, $0x38;
	[tilespmem:$0x10200] =	vst v63  }
0x56: {  	s19 =	sadd.s32 $0x700, s14;
	s28 =	sand.u32 $0x1FFFFFF0, s25;
	(v2sf) =	vpush v0, $0xB;
	s29 =	spop (v2sf)  }
0x57: {  	s22 =	sadd.s32 s3, s28;
	s0 =	sadd.s32 $0x680, s14;
	s25 =	sand.u32 $0x1FFFFFF0, s29  }
0x58: {  	(v2sf) =	vpush v0, $0xC;
	[tilespmem:s23], [sflag:$0x1] =	stream.linear.gather [hbm4b:s22+s2], $0x80, $0x38;
	[tilespmem:$0x10200] =	vst v63  }
0x59: {  	s30 =	sand.u32 $0x1FFFFFF0, s31;
	s31 =	spop (v2sf);
	s28 =	sadd.s32 s3, s25  }
0x5a: {  	(v2sf) =	vpush v0, $0xD;
	[tilespmem:s26], [sflag:$0x1] =	stream.linear.gather [hbm4b:s28+s2], $0x80, $0x38;
	[tilespmem:$0x10200] =	vst v63  }
0x5b: {  	s22 =	sadd.s32 s3, s30;
	s23 =	sand.u32 $0x1FFFFFF0, s31;
	s29 =	spop (v2sf)  }
0x5c: {  	(v2sf) =	vpush v0, $0xE;
	[tilespmem:s20], [sflag:$0x1] =	stream.linear.gather [hbm4b:s22+s2], $0x80, $0x38;
	[tilespmem:$0x10200] =	vst v63  }
0x5d: {  	s23 =	sadd.s32 s3, s23;
	s30 =	sand.u32 $0x1FFFFFF0, s29;
	s31 =	spop (v2sf)  }
0x5e: {  	(v2sf) =	vpush v0, $0xF;
	[tilespmem:s12], [sflag:$0x1] =	stream.linear.gather [hbm4b:s23+s2], $0x80, $0x38;
	[tilespmem:$0x10200] =	vst v63  }
0x5f: {  	s24 =	sand.u32 $0x1FFFFFF0, s31;
	s25 =	spop (v2sf);
	s20 =	sadd.s32 s3, s30  }
0x60: {  	[tilespmem:s21], [sflag:$0x1] =	stream.linear.gather [hbm4b:s20+s2], $0x80, $0x38;
	[tilespmem:$0x10200] =	vst v63  }
0x61: {  	s26 =	sand.u32 $0x1FFFFFF0, s25;
	s12 =	sadd.s32 s3, s24;
	s28 =	spop (v2sf)  }
0x62: {  	[tilespmem:s1], [sflag:$0x1] =	stream.linear.gather [hbm4b:s12+s2], $0x80, $0x38;
	[tilespmem:$0x10200] =	vst v63  }
0x63: {  	s20 =	sadd.s32 s3, s26;
	s29 =	sand.u32 $0x1FFFFFF0, s28;
	s30 =	spop (v2sf)  }
0x64: {  	[tilespmem:s18], [sflag:$0x1] =	stream.linear.gather [hbm4b:s20+s2], $0x80, $0x38;
	[tilespmem:$0x10200] =	vst v63  }
0x65: {  	s12 =	sand.u32 $0x1FFFFFF0, s30;
	s1 =	sadd.s32 s3, s29;
	s31 =	spop (v2sf)  }
0x66: {  	[tilespmem:s0], [sflag:$0x1] =	stream.linear.gather [hbm4b:s1+s2], $0x80, $0x38;
	[tilespmem:$0x10200] =	vst v63  }
0x67: {  	s12 =	sadd.s32 s3, s12;
	s20 =	sand.u32 $0x1FFFFFF0, s31;
	s21 =	spop (v2sf)  }
0x68: {  	[tilespmem:s19], [sflag:$0x1] =	stream.linear.gather [hbm4b:s12+s2], $0x80, $0x38;
	[tilespmem:$0x10200] =	vst v63  }
0x69: {  	s0 =	sadd.s32 s3, s20;
	s1 =	sand.u32 $0x1FFFFFF0, s21;
	s22 =	spop (v2sf)  }
0x6a: {  	[tilespmem:s17], [sflag:$0x1] =	stream.linear.gather [hbm4b:s0+s2], $0x80, $0x38;
	[tilespmem:$0x10200] =	vst v63  }
0x6b: {  	s23 =	sand.u32 $0x1FFFFFF0, s22;
	s1 =	sadd.s32 s3, s1;
	s24 =	spop (v2sf)  }
0x6c: {  	[tilespmem:s15], [sflag:$0x1] =	stream.linear.gather [hbm4b:s1+s2], $0x80, $0x38;
	[tilespmem:$0x10200] =	vst v63  }
0x6d: {  	s25 =	sand.u32 $0x1FFFFFF0, s24;
	s26 =	spop (v2sf);
	s0 =	sadd.s32 s3, s23  }
0x6e: {  	[tilespmem:s16], [sflag:$0x1] =	stream.linear.gather [hbm4b:s0+s2], $0x80, $0x38;
	[tilespmem:$0x10200] =	vst v63  }
0x6f: {  	s29 =	sadd.s32 $0x900, s14;
	s28 =	sand.u32 $0x1FFFFFF0, s26;
	s1 =	sadd.s32 s3, s25  }
0x70: {  	[tilespmem:s29], [sflag:$0x1] =	stream.linear.gather [hbm4b:s1+s2], $0x80, $0x38;
	[tilespmem:$0x10200] =	vst v63  }
0x71: {  	s30 =	sadd.s32 $0x980, s14;
	s0 =	sadd.s32 s3, s28  }
0x72: {  	[tilespmem:s30], [sflag:$0x1] =	stream.linear.gather [hbm4b:s0+s2], $0x80, $0x38;
	[tilespmem:$0x10200] =	vst v63  }
0x73: {  	_ =	swait.ge [sflag:s11], $0x10000  }
0x74: {  	[sflag:s11] =	ssyncset.done $0x0  }
0x75: {  	s31 =	simm.s32 $0x200;
	s15 =	simm.s32 $0x0;
	[sflag:s11] =	ssyncadd.s32 $0xFFFF0000  }
0x76: {  	[hbm4b:s6+s15] =	stream.linear.scatter [tilespmem:s31], [sflag:$0x2], $0x10000, $0x38;
	[tilespmem:$0x10200] =	vst v63  }
0x77: {  	_ =	swait.ge [sflag:s10], $0x10000  }
0x78: {  	[sflag:s10] =	ssyncset.done $0x0  }
0x79: {  	[sflag:s10] =	ssyncadd.s32 $0xFFFF0000  }
0x7a: {  	[tilespmem:s15], [sflag:$0x2] =	stream.linear.gather [hbm4b:s7+s15], $0x200, $0x38;
	[tilespmem:$0x10200] =	vst v63  }
0x7b: {  	_ =	swait.ge [sflag:s10], $0x200  }
0x7c: {  	[sflag:s10] =	ssyncset.done $0x0  }
0x7d: {  	[sflag:s10] =	ssyncadd.s32 $0xFFFFFE00  }
0x7e: {  	v0 =	vld [tilespmem:s15+$0x0];
	_ =	sdelay $0x4  }
0x7f: {  	v0 =	vshll.u32 v0, $0x4  }
0x80: {  	(v2sf) =	vpush v0, $0x0  }
0x81: {  	(v2sf) =	vpush v0, $0x1  }
0x82: {  	(v2sf) =	vpush v0, $0x2;
	_ =	sdelay $0x1  }
0x83: {  	(v2sf) =	vpush v0, $0x4;
	_ =	sdelay $0x1  }
0x84: {  	(v2sf) =	vpush v0, $0x3  }
0x85: {  	(v2sf) =	vpush v0, $0x5  }
0x86: {  	s14 =	simm.s32 $0x0;
	s16 =	simm.s32 $0x2000;
	(v2sf) =	vpush v0, $0x6  }
.LBB2_4:
0x87: {  	p0 =	sne.s32 s16, $0x3E000  }
0x88: {  	s0 =	sadd.s32 $0x280, s14;
	s20 =	sadd.s32 $0x780, s14;
	s17 =	smov.u32 s16  }
0x89: {  	s16 =	sadd.s32 $0x2000, s16;
	s23 =	sadd.s32 $0x580, s14;
	s18 =	sadd.s32 $0x800, s14;
	(v2sf) =	vpush v0, $0x7  }
0x8a: {  	s25 =	sadd.s32 $0x480, s14;
	s22 =	sadd.s32 $0x600, s14;
	s19 =	sadd.s32 $0x880, s14  }
0x8b: {  	s1 =	sadd.s32 $0x200, s14;
	s12 =	sadd.s32 $0x400, s14;
	(v2sf) =	vpush v0, $0x8  }
0x8c: {  	s26 =	sadd.s32 $0x500, s14;
	s15 =	sadd.s32 $0x10, s15  }
0x8d: {  	s28 =	sadd.s32 $0x300, s14;
	s21 =	sadd.s32 $0x700, s14;
	s24 =	spop (v2sf);
	(v2sf) =	vpush v0, $0x9  }
0x8e: {  	s29 =	sand.u32 $0x1FFFFFF0, s24;
	s24 =	sadd.s32 $0x680, s14;
	s30 =	spop (v2sf)  }
0x8f: {  	s29 =	sadd.s32 s4, s29;
	s30 =	sand.u32 $0x1FFFFFF0, s30;
	s31 =	spop (v2sf);
	(v2sf) =	vpush v0, $0xA  }
0x90: {  	[tilespmem:s1], [sflag:$0x1] =	stream.linear.gather [hbm4b:s29+s2], $0x80, $0x38;
	[tilespmem:$0x10200] =	vst v63  }
0x91: {  	s1 =	sadd.s32 s4, s30;
	s29 =	sadd.s32 $0x380, s14;
	s30 =	spop (v2sf);
	(v2sf) =	vpush v0, $0xB  }
0x92: {  	[tilespmem:s0], [sflag:$0x1] =	stream.linear.gather [hbm4b:s1+s2], $0x80, $0x38;
	[tilespmem:$0x10200] =	vst v63  }
0x93: {  	s0 =	sand.u32 $0x1FFFFFF0, s31;
	s1 =	sand.u32 $0x1FFFFFF0, s30;
	s30 =	spop (v2sf);
	(v2sf) =	vpush v0, $0xC  }
0x94: {  	s0 =	sadd.s32 s4, s0;
	s30 =	sand.u32 $0x1FFFFFF0, s30;
	s31 =	spop (v2sf)  }
0x95: {  	[tilespmem:s28], [sflag:$0x1] =	stream.linear.gather [hbm4b:s0+s2], $0x80, $0x38;
	(v2sf) =	vpush v0, $0xD;
	[tilespmem:$0x10200] =	vst v63  }
0x96: {  	s0 =	sadd.s32 s4, s30;
	s28 =	sand.u32 $0x1FFFFFF0, s31;
	s30 =	spop (v2sf)  }
0x97: {  	[tilespmem:s29], [sflag:$0x1] =	stream.linear.gather [hbm4b:s0+s2], $0x80, $0x38;
	(v2sf) =	vpush v0, $0xE;
	[tilespmem:$0x10200] =	vst v63  }
0x98: {  	s0 =	sadd.s32 s4, s1;
	s1 =	sand.u32 $0x1FFFFFF0, s30;
	s29 =	spop (v2sf)  }
0x99: {  	[tilespmem:s12], [sflag:$0x1] =	stream.linear.gather [hbm4b:s0+s2], $0x80, $0x38;
	(v2sf) =	vpush v0, $0xF;
	[tilespmem:$0x10200] =	vst v63  }
0x9a: {  	s0 =	sadd.s32 s4, s28;
	s12 =	sand.u32 $0x1FFFFFF0, s29;
	s28 =	spop (v2sf)  }
0x9b: {  	[tilespmem:s25], [sflag:$0x1] =	stream.linear.gather [hbm4b:s0+s2], $0x80, $0x38;
	[tilespmem:$0x10200] =	vst v63  }
0x9c: {  	s0 =	sadd.s32 s4, s1;
	s1 =	sand.u32 $0x1FFFFFF0, s28;
	s25 =	spop (v2sf)  }
0x9d: {  	[tilespmem:s26], [sflag:$0x1] =	stream.linear.gather [hbm4b:s0+s2], $0x80, $0x38;
	[tilespmem:$0x10200] =	vst v63  }
0x9e: {  	s0 =	sadd.s32 s4, s12;
	s12 =	sand.u32 $0x1FFFFFF0, s25;
	s25 =	spop (v2sf)  }
0x9f: {  	[tilespmem:s23], [sflag:$0x1] =	stream.linear.gather [hbm4b:s0+s2], $0x80, $0x38;
	[tilespmem:$0x10200] =	vst v63  }
0xa0: {  	s0 =	sadd.s32 s4, s1;
	s1 =	sand.u32 $0x1FFFFFF0, s25;
	s23 =	spop (v2sf)  }
0xa1: {  	[tilespmem:s22], [sflag:$0x1] =	stream.linear.gather [hbm4b:s0+s2], $0x80, $0x38;
	[tilespmem:$0x10200] =	vst v63  }
0xa2: {  	s0 =	sadd.s32 s4, s12;
	s12 =	sand.u32 $0x1FFFFFF0, s23;
	s22 =	spop (v2sf)  }
0xa3: {  	[tilespmem:s24], [sflag:$0x1] =	stream.linear.gather [hbm4b:s0+s2], $0x80, $0x38;
	[tilespmem:$0x10200] =	vst v63  }
0xa4: {  	s0 =	sadd.s32 s4, s1;
	s1 =	sand.u32 $0x1FFFFFF0, s22;
	s22 =	spop (v2sf)  }
0xa5: {  	[tilespmem:s21], [sflag:$0x1] =	stream.linear.gather [hbm4b:s0+s2], $0x80, $0x38;
	[tilespmem:$0x10200] =	vst v63  }
0xa6: {  	s0 =	sadd.s32 s4, s12;
	s12 =	sand.u32 $0x1FFFFFF0, s22;
	s21 =	spop (v2sf)  }
0xa7: {  	[tilespmem:s20], [sflag:$0x1] =	stream.linear.gather [hbm4b:s0+s2], $0x80, $0x38;
	[tilespmem:$0x10200] =	vst v63  }
0xa8: {  	s0 =	sadd.s32 s4, s1;
	s1 =	sand.u32 $0x1FFFFFF0, s21;
	s20 =	spop (v2sf)  }
0xa9: {  	[tilespmem:s18], [sflag:$0x1] =	stream.linear.gather [hbm4b:s0+s2], $0x80, $0x38;
	[tilespmem:$0x10200] =	vst v63  }
0xaa: {  	s0 =	sadd.s32 s4, s12;
	s12 =	sand.u32 $0x1FFFFFF0, s20  }
0xab: {  	[tilespmem:s19], [sflag:$0x1] =	stream.linear.gather [hbm4b:s0+s2], $0x80, $0x38;
	[tilespmem:$0x10200] =	vst v63  }
0xac: {  	s1 =	sadd.s32 s4, s1;
	s0 =	sadd.s32 $0x900, s14  }
0xad: {  	[tilespmem:s0], [sflag:$0x1] =	stream.linear.gather [hbm4b:s1+s2], $0x80, $0x38;
	[tilespmem:$0x10200] =	vst v63  }
0xae: {  	s0 =	sadd.s32 $0x980, s14;
	s1 =	sadd.s32 s4, s12  }
0xaf: {  	[tilespmem:s0], [sflag:$0x1] =	stream.linear.gather [hbm4b:s1+s2], $0x80, $0x38;
	[tilespmem:$0x10200] =	vst v63  }
0xb0: {  	v0 =	vld [tilespmem:s15+$0x0];
	_ =	sdelay $0x4  }
0xb1: {  	v0 =	vshll.u32 v0, $0x4  }
0xb2: {  	(v2sf) =	vpush v0, $0x0  }
0xb3: {  	(v2sf) =	vpush v0, $0x1  }
0xb4: {  	(v2sf) =	vpush v0, $0x2;
	_ =	sdelay $0x1  }
0xb5: {  	(v2sf) =	vpush v0, $0x4  }
.Ltmp1:
0xb6: {  	(pc) =	sbr.rel @p0 .LBB2_4-.Ltmp1, $3  }
0xb7: {  	(v2sf) =	vpush v0, $0x3  }
0xb8: {  	(v2sf) =	vpush v0, $0x5;
	_ =	sdelay $0x1  }
0xb9: {  	s14 =	sshra.s32 s17, $0x2;
	(v2sf) =	vpush v0, $0x6  }
0xba: {  	_ =	sdelay $0x1  }
0xbb: {  	s0 =	sadd.s32 $0x280, s14;
	s17 =	sadd.s32 $0x780, s14  }
0xbc: {  	s1 =	sadd.s32 $0x580, s14;
	s15 =	sadd.s32 $0x800, s14;
	(v2sf) =	vpush v0, $0x7;
	s12 =	sadd.s32 $0x480, s14  }
0xbd: {  	s18 =	sadd.s32 $0x600, s14;
	s16 =	sadd.s32 $0x880, s14;
	s19 =	sadd.s32 $0x200, s14  }
0xbe: {  	s20 =	sadd.s32 $0x400, s14;
	s21 =	sadd.s32 $0x500, s14;
	(v2sf) =	vpush v0, $0x8;
	s22 =	spop (v2sf)  }
0xbf: {  	s23 =	sadd.s32 $0x300, s14;
	s22 =	sand.u32 $0x1FFFFFF0, s22;
	s24 =	spop (v2sf)  }
0xc0: {  	(v2sf) =	vpush v0, $0x9;
	s22 =	sadd.s32 s4, s22;
	s24 =	sand.u32 $0x1FFFFFF0, s24;
	s25 =	spop (v2sf)  }
0xc1: {  	[tilespmem:s19], [sflag:$0x1] =	stream.linear.gather [hbm4b:s22+s2], $0x80, $0x38;
	[tilespmem:$0x10200] =	vst v63  }
0xc2: {  	s26 =	sadd.s32 $0x380, s14;
	(v2sf) =	vpush v0, $0xA;
	s30 =	sadd.s32 s4, s24;
	s31 =	spop (v2sf)  }
0xc3: {  	[tilespmem:s0], [sflag:$0x1] =	stream.linear.gather [hbm4b:s30+s2], $0x80, $0x38;
	[tilespmem:$0x10200] =	vst v63  }
0xc4: {  	s19 =	sadd.s32 $0x700, s14;
	s28 =	sand.u32 $0x1FFFFFF0, s25;
	(v2sf) =	vpush v0, $0xB;
	s29 =	spop (v2sf)  }
0xc5: {  	s22 =	sadd.s32 s4, s28;
	s0 =	sadd.s32 $0x680, s14;
	s25 =	sand.u32 $0x1FFFFFF0, s29  }
0xc6: {  	(v2sf) =	vpush v0, $0xC;
	[tilespmem:s23], [sflag:$0x1] =	stream.linear.gather [hbm4b:s22+s2], $0x80, $0x38;
	[tilespmem:$0x10200] =	vst v63  }
0xc7: {  	s30 =	sand.u32 $0x1FFFFFF0, s31;
	s31 =	spop (v2sf);
	s28 =	sadd.s32 s4, s25  }
0xc8: {  	(v2sf) =	vpush v0, $0xD;
	[tilespmem:s26], [sflag:$0x1] =	stream.linear.gather [hbm4b:s28+s2], $0x80, $0x38;
	[tilespmem:$0x10200] =	vst v63  }
0xc9: {  	s22 =	sadd.s32 s4, s30;
	s23 =	sand.u32 $0x1FFFFFF0, s31;
	s29 =	spop (v2sf)  }
0xca: {  	(v2sf) =	vpush v0, $0xE;
	[tilespmem:s20], [sflag:$0x1] =	stream.linear.gather [hbm4b:s22+s2], $0x80, $0x38;
	[tilespmem:$0x10200] =	vst v63  }
0xcb: {  	s23 =	sadd.s32 s4, s23;
	s30 =	sand.u32 $0x1FFFFFF0, s29;
	s31 =	spop (v2sf)  }
0xcc: {  	(v2sf) =	vpush v0, $0xF;
	[tilespmem:s12], [sflag:$0x1] =	stream.linear.gather [hbm4b:s23+s2], $0x80, $0x38;
	[tilespmem:$0x10200] =	vst v63  }
0xcd: {  	s24 =	sand.u32 $0x1FFFFFF0, s31;
	s25 =	spop (v2sf);
	s20 =	sadd.s32 s4, s30  }
0xce: {  	[tilespmem:s21], [sflag:$0x1] =	stream.linear.gather [hbm4b:s20+s2], $0x80, $0x38;
	[tilespmem:$0x10200] =	vst v63  }
0xcf: {  	s26 =	sand.u32 $0x1FFFFFF0, s25;
	s12 =	sadd.s32 s4, s24;
	s28 =	spop (v2sf)  }
0xd0: {  	[tilespmem:s1], [sflag:$0x1] =	stream.linear.gather [hbm4b:s12+s2], $0x80, $0x38;
	[tilespmem:$0x10200] =	vst v63  }
0xd1: {  	s20 =	sadd.s32 s4, s26;
	s29 =	sand.u32 $0x1FFFFFF0, s28;
	s30 =	spop (v2sf)  }
0xd2: {  	[tilespmem:s18], [sflag:$0x1] =	stream.linear.gather [hbm4b:s20+s2], $0x80, $0x38;
	[tilespmem:$0x10200] =	vst v63  }
0xd3: {  	s12 =	sand.u32 $0x1FFFFFF0, s30;
	s1 =	sadd.s32 s4, s29;
	s31 =	spop (v2sf)  }
0xd4: {  	[tilespmem:s0], [sflag:$0x1] =	stream.linear.gather [hbm4b:s1+s2], $0x80, $0x38;
	[tilespmem:$0x10200] =	vst v63  }
0xd5: {  	s12 =	sadd.s32 s4, s12;
	s20 =	sand.u32 $0x1FFFFFF0, s31;
	s21 =	spop (v2sf)  }
0xd6: {  	[tilespmem:s19], [sflag:$0x1] =	stream.linear.gather [hbm4b:s12+s2], $0x80, $0x38;
	[tilespmem:$0x10200] =	vst v63  }
0xd7: {  	s0 =	sadd.s32 s4, s20;
	s1 =	sand.u32 $0x1FFFFFF0, s21;
	s22 =	spop (v2sf)  }
0xd8: {  	[tilespmem:s17], [sflag:$0x1] =	stream.linear.gather [hbm4b:s0+s2], $0x80, $0x38;
	[tilespmem:$0x10200] =	vst v63  }
0xd9: {  	s23 =	sand.u32 $0x1FFFFFF0, s22;
	s1 =	sadd.s32 s4, s1;
	s24 =	spop (v2sf)  }
0xda: {  	[tilespmem:s15], [sflag:$0x1] =	stream.linear.gather [hbm4b:s1+s2], $0x80, $0x38;
	[tilespmem:$0x10200] =	vst v63  }
0xdb: {  	s25 =	sand.u32 $0x1FFFFFF0, s24;
	s26 =	spop (v2sf);
	s0 =	sadd.s32 s4, s23  }
0xdc: {  	[tilespmem:s16], [sflag:$0x1] =	stream.linear.gather [hbm4b:s0+s2], $0x80, $0x38;
	[tilespmem:$0x10200] =	vst v63  }
0xdd: {  	s29 =	sadd.s32 $0x900, s14;
	s28 =	sand.u32 $0x1FFFFFF0, s26;
	s1 =	sadd.s32 s4, s25  }
0xde: {  	[tilespmem:s29], [sflag:$0x1] =	stream.linear.gather [hbm4b:s1+s2], $0x80, $0x38;
	[tilespmem:$0x10200] =	vst v63  }
0xdf: {  	s30 =	sadd.s32 $0x980, s14;
	s0 =	sadd.s32 s4, s28  }
0xe0: {  	[tilespmem:s30], [sflag:$0x1] =	stream.linear.gather [hbm4b:s0+s2], $0x80, $0x38;
	[tilespmem:$0x10200] =	vst v63  }
0xe1: {  	s13 =	sadd.s32 $0x1, s13;
	_ =	swait.ge [sflag:s11], $0x10000  }
0xe2: {  	p0 =	sne.s32 s13, s9;
	[sflag:s11] =	ssyncset.done $0x0  }
.Ltmp2:
0xe3: {  	s31 =	simm.s32 $0x200;
	[sflag:s11] =	ssyncadd.s32 $0xFFFF0000;
	(pc) =	sbr.rel @p0 .LBB2_1-.Ltmp2, $4  }
0xe4: {  	[hbm4b:s8+s2] =	stream.linear.scatter [tilespmem:s31], [sflag:$0x2], $0x10000, $0x38;
	[tilespmem:$0x10200] =	vst v63  }
0xe5: {  	_ =	swait.ge [sflag:s10], $0x10000  }
0xe6: {  	[sflag:s10] =	ssyncset.done $0x0  }
0xe7: {  	[sflag:s10] =	ssyncadd.s32 $0xFFFF0000  }
0xe8: {  	_ =	sfence.sel $0x180000  }
0xe9: {  	[bflag:$0x0] =	sbarrier.arrive $0xFFFF  }
0xea: {  	_ =	strace $0x90000047  }
0xeb: {  	s0 =	stileid.u32;
	[bflag:$0x2] =	sbarrier.arrive $0xFFFF  }
0xec: {  	p0 =	sne.s32 s0, $0x0;
	s0 =	rddreg [dreg:$0x3]  }
0xed: {  	s0 =	sadd.s32 @!p0 $0x100000, s0  }
0xee: {  	[sflag:s0] =	ssyncadd.tile.s32 @!p0 $0x1;
	_ =	shalt  }
.Lfunc_end2:
_tile_overlayer_lowered:
.L_overlay_start_2:
0xef: {  	(tag) =	ssettag $0x2  }
0xf0: {  	s0 =	rddreg [dreg:$0x0];
	s2 =	stileid.u32  }
0xf1: {  	s1 =	rddreg [dreg:$0x1];
	p0 =	sne.s32 s2, $0x0  }
0xf2: {  	s3 =	rddreg [dreg:$0x2];
	[bflag:$0x3] =	sbarrier.arrive $0xFFFF;
	s2 =	simm.s32 @!p0 $0x1C02  }
0xf3: {  	[timem:s3], [sflag:s2] =	dma.local @!p0 [hbm:s0], s1  }
0xf4: {  	s0 =	simm.s32 @!p0 $0x2  }
0xf5: {  	_ =	swait.ge @!p0 [sflag:s0], s1  }
0xf6: {  	s1 =	ssub.s32 @!p0 $0x0, s1;
	[sflag:s0] =	ssyncset.done @!p0 $0x0  }
0xf7: {  	[sflag:s0] =	ssyncadd.s32 @!p0 s1  }
0xf8: {  	[bflag:$0x3] =	sbarrier.arrive $0xFFFF  }
0xf9: {  	_ =	shalt  }

</sc_bundles>
